<compile_context>
chip_gen: v7x
topology: tpu7x:2x2x1
jax: 0.10.2.dev20260603
libtpu: 0.0.44.dev20260713+nightly
codegen_flags: <defaults>
</compile_context>

<pallas_src>
import functools

import jax
import jax.numpy as jnp
from jax import lax
from jax.experimental import pallas as pl
from jax.experimental.pallas import tpu as pltpu
from jax.experimental.pallas import tpu_sc as plsc

N = 10000
E = 320000
D = 128
BN_EPS = 1e-5

NC = 2
NS = 16
NW = NC * NS
EPW = E // NW
C = 80
CHUNKS = EPW // C
RPS = 624
TAIL = N - NS * RPS


def _sc_aggregate(x, src, dst, zeros):
    mesh = plsc.VectorSubcoreMesh(core_axis_name="c", subcore_axis_name="s")

    @functools.partial(
        pl.kernel,
        mesh=mesh,
        out_type=jax.ShapeDtypeStruct((NC, N, D), jnp.float32),
        scratch_types=[
            pltpu.VMEM((EPW,), jnp.int32),
            pltpu.VMEM((CHUNKS, C), jnp.int32),
            pltpu.VMEM((2, C, D), jnp.float32),
            pltpu.VMEM_SHARED((N, D), jnp.float32),
            pltpu.SemaphoreType.DMA,
            pltpu.SemaphoreType.DMA,
        ],
    )
    def sc_agg(x_hbm, src_hbm, dst_hbm, zeros_hbm, out_hbm,
               src_v, dst_v, rows_v, agg_sh, sem0, sem1):
        cid = lax.axis_index("c")
        sid = lax.axis_index("s")
        wid = sid * NC + cid

        pltpu.sync_copy(zeros_hbm, agg_sh.at[pl.ds(sid * RPS, RPS)])

        @pl.when(sid == NS - 1)
        def _():
            pltpu.sync_copy(zeros_hbm.at[pl.ds(0, TAIL)],
                            agg_sh.at[pl.ds(NS * RPS, TAIL)])

        pltpu.sync_copy(src_hbm.at[wid], src_v)
        pltpu.sync_copy(dst_hbm.at[wid], dst_v)
        plsc.subcore_barrier()

        def gather(j, buf, sem):
            pltpu.async_copy(
                x_hbm.at[src_v.at[pl.ds(j * C, C)]], rows_v.at[buf], sem)

        def wait_rows(buf, sem):
            pltpu.make_async_copy(
                x_hbm.at[pl.ds(0, C)], rows_v.at[buf], sem).wait()

        def scatter_add(j, buf):
            pltpu.sync_copy(rows_v.at[buf], agg_sh.at[dst_v.at[j]], add=True)

        gather(0, 0, sem0)
        gather(1, 1, sem1)

        @pl.loop(0, CHUNKS - 3, step=2)
        def _(j):
            wait_rows(0, sem0)
            scatter_add(j, 0)
            gather(j + 2, 0, sem0)
            wait_rows(1, sem1)
            scatter_add(j + 1, 1)
            gather(j + 3, 1, sem1)

        wait_rows(0, sem0)
        scatter_add(CHUNKS - 3, 0)
        gather(CHUNKS - 1, 0, sem0)
        wait_rows(1, sem1)
        scatter_add(CHUNKS - 2, 1)
        wait_rows(0, sem0)
        scatter_add(CHUNKS - 1, 0)

        plsc.subcore_barrier()
        pltpu.sync_copy(agg_sh.at[pl.ds(sid * RPS, RPS)],
                        out_hbm.at[cid, pl.ds(sid * RPS, RPS)])

        @pl.when(sid == NS - 1)
        def _():
            pltpu.sync_copy(agg_sh.at[pl.ds(NS * RPS, TAIL)],
                            out_hbm.at[cid, pl.ds(NS * RPS, TAIL)])

    return sc_agg(x, src, dst, zeros)


def _mlp_body(x_ref, aggp_ref, w1_ref, b1_ref, gamma_ref, beta_ref,
              w2_ref, b2_ref, eps_ref, y_ref):
    agg = aggp_ref[0] + aggp_ref[1]
    out = (1.0 + eps_ref[0, 0]) * x_ref[...] + agg
    h = lax.dot_general(out, w1_ref[...], (((1,), (1,)), ((), ())),
                        preferred_element_type=jnp.float32,
                        precision=lax.Precision.DEFAULT) + b1_ref[...]
    mu = jnp.mean(h, axis=0, keepdims=True)
    var = jnp.mean((h - mu) ** 2, axis=0, keepdims=True)
    hn = (h - mu) * (gamma_ref[...] / jnp.sqrt(var + BN_EPS)) + beta_ref[...]
    hr = jnp.maximum(hn, 0.0)
    y_ref[...] = lax.dot_general(hr, w2_ref[...], (((1,), (1,)), ((), ())),
                                 preferred_element_type=jnp.float32,
                                 precision=lax.Precision.DEFAULT) + b2_ref[...]


def kernel(x, edge_index, W1, b1, gamma, beta, W2, b2, eps):
    ei = edge_index.astype(jnp.int32)
    src = ei[0].reshape(NW, EPW)
    dst = ei[1].reshape(NW, CHUNKS, C)
    zeros = jnp.zeros((RPS, D), jnp.float32)

    aggp = _sc_aggregate(x, src, dst, zeros)

    y = pl.pallas_call(
        _mlp_body,
        out_shape=jax.ShapeDtypeStruct((N, D), jnp.float32),
    )(x, aggp,
      W1, b1.reshape(1, D), gamma.reshape(1, D), beta.reshape(1, D),
      W2, b2.reshape(1, D), eps.reshape(1, 1).astype(jnp.float32))
    return y

# --- scband reference (transcript-rebuilt; emitter-appended) ---
"""Pipeline reference for scband-ginconv-manual-352187319171 (READ-ONLY COPY).

The authoritative reference and input builder live on the scoring server;
editing this copy changes nothing except your own understanding.
"""

import jax, jax.numpy as jnp
import numpy as np

N = 10000
E = 320000
D_IN = 128
D_OUT = 128
BN_EPS = 1e-5


def setup_inputs(seed: int = 0) -> dict:
    key = jax.random.key(seed)
    k_x, k_e, k_w1, k_w2 = jax.random.split(key, 4)
    x = jax.random.normal(k_x, (N, D_IN), dtype=jnp.float32)
    edge_index = jax.random.randint(k_e, (2, E), 0, N, dtype=jnp.int64)
    # nn.Linear default init: U(-1/sqrt(fan_in), 1/sqrt(fan_in))
    lim1 = 1.0 / np.sqrt(D_IN)
    W1 = jax.random.uniform(k_w1, (D_OUT, D_IN), minval=-lim1, maxval=lim1, dtype=jnp.float32)
    b1 = jnp.zeros((D_OUT,), dtype=jnp.float32)
    gamma = jnp.ones((D_OUT,), dtype=jnp.float32)
    beta = jnp.zeros((D_OUT,), dtype=jnp.float32)
    lim2 = 1.0 / np.sqrt(D_OUT)
    W2 = jax.random.uniform(k_w2, (D_OUT, D_OUT), minval=-lim2, maxval=lim2, dtype=jnp.float32)
    b2 = jnp.zeros((D_OUT,), dtype=jnp.float32)
    eps = jnp.asarray(0.0, dtype=jnp.float32)
    return {"x": x, "edge_index": edge_index, "W1": W1, "b1": b1,
            "gamma": gamma, "beta": beta, "W2": W2, "b2": b2, "eps": eps}


def reference(x, edge_index, W1, b1, gamma, beta, W2, b2, eps):
    src = edge_index[0]
    dst = edge_index[1]
    # scatter-add aggregation: agg[dst] += x[src]
    msgs = jnp.take(x, src, axis=0)
    agg = jnp.zeros((x.shape[0], x.shape[1]), dtype=x.dtype).at[dst].add(msgs)
    out = (1.0 + eps) * x + agg
    # MLP: Linear -> BatchNorm1d (training-mode batch stats) -> ReLU -> Linear
    h = out @ W1.T + b1
    mu = jnp.mean(h, axis=0)
    var = jnp.mean((h - mu) ** 2, axis=0)  # biased variance, matches BN training
    hn = (h - mu) / jnp.sqrt(var + BN_EPS) * gamma + beta
    hr = jnp.maximum(hn, 0.0)
    y = hr @ W2.T + b2
    return y

if __name__ == "__main__":
    import jax
    _d = setup_inputs()
    print(jax.jit(kernel)(*tuple(_d.values())))

</pallas_src>

<mosaic_0001>
#map = affine_map<(d0, d1) -> (0, 0)>
#map1 = affine_map<(d0, d1) -> (0, 0, 0)>
module attributes {stable_mosaic.version = 14 : i64} {
  func.func @sc_agg(%arg0: i32, %arg1: i32, %arg2: memref<10000x128xf32, #tpu.memory_space<hbm>>, %arg3: memref<32x10000xi32, #tpu.memory_space<hbm>>, %arg4: memref<32x125x80xi32, #tpu.memory_space<hbm>>, %arg5: memref<624x128xf32, #tpu.memory_space<hbm>>, %arg6: memref<2x10000x128xf32, #tpu.memory_space<hbm>>, %arg7: memref<10000xi32, #tpu.memory_space<vmem>>, %arg8: memref<125x80xi32, #tpu.memory_space<vmem>>, %arg9: memref<2x80x128xf32, #tpu.memory_space<vmem>>, %arg10: memref<10000x128xf32, #tpu.memory_space<vmem_shared>>, %arg11: memref<!tpu.dma_semaphore, #tpu.memory_space<semaphore_mem>>, %arg12: memref<!tpu.dma_semaphore, #tpu.memory_space<semaphore_mem>>) attributes {dimension_semantics = [#tpu.dimension_semantics<core_parallel>, #tpu.dimension_semantics<subcore_parallel>], iteration_bounds = array<i64: 2, 16>, scalar_prefetch = 0 : i64, scratch_operands = 6 : i64, tpu.core_type = #tpu.core_type<sc_vector_subcore>, window_params = [{transform_indices = #map}, {transform_indices = #map}, {transform_indices = #map1}, {transform_indices = #map}, {transform_indices = #map1}]} {
    %mul3A = arith.constant 2 : i32
    %mul3A_0 = arith.muli %arg1, %mul3A : i32
    %add3A = arith.addi %mul3A_0, %arg0 : i32
    %mul3A_1 = arith.constant 624 : i32
    %mul3A_2 = arith.muli %arg1, %mul3A_1 : i32
    "tpu.region"() ({
      %run_scoped3A_97 = tpu.sem_alloc : memref<!tpu.dma_semaphore, #tpu.memory_space<semaphore_mem>>
      %dma_start3A_98 = arith.constant 0 : i32
      %dma_start3A_99 = tpu.memref_slice %arg10[%mul3A_2, %dma_start3A_98] : memref<10000x128xf32, #tpu.memory_space<vmem_shared>> -> memref<624x128xf32, #tpu.memory_space<vmem_shared>>
      tpu.enqueue_dma source(%arg5 : memref<624x128xf32, #tpu.memory_space<hbm>>) target(%dma_start3A_99 : memref<624x128xf32, #tpu.memory_space<vmem_shared>>) target_semaphore(%run_scoped3A_97 : memref<!tpu.dma_semaphore, #tpu.memory_space<semaphore_mem>>)
      %dma_wait3A_100 = arith.constant 0 : i32
      %dma_wait3A_101 = tpu.memref_slice %arg10[%mul3A_2, %dma_wait3A_100] : memref<10000x128xf32, #tpu.memory_space<vmem_shared>> -> memref<624x128xf32, #tpu.memory_space<vmem_shared>>
      tpu.wait_dma2 semaphore(%run_scoped3A_97 : memref<!tpu.dma_semaphore, #tpu.memory_space<semaphore_mem>>) src(%arg5 : memref<624x128xf32, #tpu.memory_space<hbm>>) dst(%dma_wait3A_101 : memref<624x128xf32, #tpu.memory_space<vmem_shared>>)
      tpu.yield
    }) : () -> ()
    %eq3A = arith.constant 15 : i32
    %eq3A_3 = arith.cmpi eq, %arg1, %eq3A : i32
    %convert_element_type3A = arith.extui %eq3A_3 : i1 to i32
    %cond3A = arith.constant 0 : i32
    %cond3A_4 = arith.cmpi ne, %convert_element_type3A, %cond3A : i32
    scf.if %cond3A_4 {
      "tpu.region"() ({
        %run_scoped3A_97 = tpu.sem_alloc : memref<!tpu.dma_semaphore, #tpu.memory_space<semaphore_mem>>
        %dma_start3A_98 = arith.constant 9984 : i32
        %dma_start3A_99 = arith.constant 0 : i32
        %dma_start3A_100 = tpu.memref_slice %arg10[%dma_start3A_98, %dma_start3A_99] : memref<10000x128xf32, #tpu.memory_space<vmem_shared>> -> memref<16x128xf32, #tpu.memory_space<vmem_shared>>
        %dma_start3A_101 = arith.constant 0 : i32
        %dma_start3A_102 = arith.constant 0 : i32
        %dma_start3A_103 = tpu.memref_slice %arg5[%dma_start3A_101, %dma_start3A_102] : memref<624x128xf32, #tpu.memory_space<hbm>> -> memref<16x128xf32, #tpu.memory_space<hbm>>
        tpu.enqueue_dma source(%dma_start3A_103 : memref<16x128xf32, #tpu.memory_space<hbm>>) target(%dma_start3A_100 : memref<16x128xf32, #tpu.memory_space<vmem_shared>>) target_semaphore(%run_scoped3A_97 : memref<!tpu.dma_semaphore, #tpu.memory_space<semaphore_mem>>)
        %dma_wait3A_104 = arith.constant 9984 : i32
        %dma_wait3A_105 = arith.constant 0 : i32
        %dma_wait3A_106 = tpu.memref_slice %arg10[%dma_wait3A_104, %dma_wait3A_105] : memref<10000x128xf32, #tpu.memory_space<vmem_shared>> -> memref<16x128xf32, #tpu.memory_space<vmem_shared>>
        %dma_wait3A_107 = arith.constant 0 : i32
        %dma_wait3A_108 = arith.constant 0 : i32
        %dma_wait3A_109 = tpu.memref_slice %arg5[%dma_wait3A_107, %dma_wait3A_108] : memref<624x128xf32, #tpu.memory_space<hbm>> -> memref<16x128xf32, #tpu.memory_space<hbm>>
        tpu.wait_dma2 semaphore(%run_scoped3A_97 : memref<!tpu.dma_semaphore, #tpu.memory_space<semaphore_mem>>) src(%dma_wait3A_109 : memref<16x128xf32, #tpu.memory_space<hbm>>) dst(%dma_wait3A_106 : memref<16x128xf32, #tpu.memory_space<vmem_shared>>)
        tpu.yield
      }) : () -> ()
    } else {
    }
    "tpu.region"() ({
      %run_scoped3A_97 = tpu.sem_alloc : memref<!tpu.dma_semaphore, #tpu.memory_space<semaphore_mem>>
      %dma_start3A_98 = arith.constant 0 : i32
      %dma_start3A_99 = tpu.memref_slice %arg3[%add3A, %dma_start3A_98] : memref<32x10000xi32, #tpu.memory_space<hbm>> -> memref<1x10000xi32, #tpu.memory_space<hbm>>
      %dma_start3A_100 = tpu.memref_squeeze %dma_start3A_99 : memref<1x10000xi32, #tpu.memory_space<hbm>> -> memref<10000xi32, #tpu.memory_space<hbm>>
      %dma_start3A_101 = arith.constant 0 : i32
      %dma_start3A_102 = tpu.memref_slice %arg3[%add3A, %dma_start3A_101] : memref<32x10000xi32, #tpu.memory_space<hbm>> -> memref<1x10000xi32, #tpu.memory_space<hbm>>
      %dma_start3A_103 = tpu.memref_squeeze %dma_start3A_102 : memref<1x10000xi32, #tpu.memory_space<hbm>> -> memref<10000xi32, #tpu.memory_space<hbm>>
      tpu.enqueue_dma source(%dma_start3A_103 : memref<10000xi32, #tpu.memory_space<hbm>>) target(%arg7 : memref<10000xi32, #tpu.memory_space<vmem>>) target_semaphore(%run_scoped3A_97 : memref<!tpu.dma_semaphore, #tpu.memory_space<semaphore_mem>>)
      %dma_wait3A_104 = arith.constant 0 : i32
      %dma_wait3A_105 = tpu.memref_slice %arg3[%add3A, %dma_wait3A_104] : memref<32x10000xi32, #tpu.memory_space<hbm>> -> memref<1x10000xi32, #tpu.memory_space<hbm>>
      %dma_wait3A_106 = tpu.memref_squeeze %dma_wait3A_105 : memref<1x10000xi32, #tpu.memory_space<hbm>> -> memref<10000xi32, #tpu.memory_space<hbm>>
      %dma_wait3A_107 = arith.constant 0 : i32
      %dma_wait3A_108 = tpu.memref_slice %arg3[%add3A, %dma_wait3A_107] : memref<32x10000xi32, #tpu.memory_space<hbm>> -> memref<1x10000xi32, #tpu.memory_space<hbm>>
      %dma_wait3A_109 = tpu.memref_squeeze %dma_wait3A_108 : memref<1x10000xi32, #tpu.memory_space<hbm>> -> memref<10000xi32, #tpu.memory_space<hbm>>
      tpu.wait_dma2 semaphore(%run_scoped3A_97 : memref<!tpu.dma_semaphore, #tpu.memory_space<semaphore_mem>>) src(%dma_wait3A_109 : memref<10000xi32, #tpu.memory_space<hbm>>) dst(%arg7 : memref<10000xi32, #tpu.memory_space<vmem>>)
      tpu.yield
    }) : () -> ()
    "tpu.region"() ({
      %run_scoped3A_97 = tpu.sem_alloc : memref<!tpu.dma_semaphore, #tpu.memory_space<semaphore_mem>>
      %dma_start3A_98 = arith.constant 0 : i32
      %dma_start3A_99 = arith.constant 0 : i32
      %dma_start3A_100 = tpu.memref_slice %arg4[%add3A, %dma_start3A_98, %dma_start3A_99] : memref<32x125x80xi32, #tpu.memory_space<hbm>> -> memref<1x125x80xi32, #tpu.memory_space<hbm>>
      %dma_start3A_101 = tpu.memref_squeeze %dma_start3A_100 : memref<1x125x80xi32, #tpu.memory_space<hbm>> -> memref<125x80xi32, #tpu.memory_space<hbm>>
      %dma_start3A_102 = arith.constant 0 : i32
      %dma_start3A_103 = arith.constant 0 : i32
      %dma_start3A_104 = tpu.memref_slice %arg4[%add3A, %dma_start3A_102, %dma_start3A_103] : memref<32x125x80xi32, #tpu.memory_space<hbm>> -> memref<1x125x80xi32, #tpu.memory_space<hbm>>
      %dma_start3A_105 = tpu.memref_squeeze %dma_start3A_104 : memref<1x125x80xi32, #tpu.memory_space<hbm>> -> memref<125x80xi32, #tpu.memory_space<hbm>>
      tpu.enqueue_dma source(%dma_start3A_105 : memref<125x80xi32, #tpu.memory_space<hbm>>) target(%arg8 : memref<125x80xi32, #tpu.memory_space<vmem>>) target_semaphore(%run_scoped3A_97 : memref<!tpu.dma_semaphore, #tpu.memory_space<semaphore_mem>>)
      %dma_wait3A_106 = arith.constant 0 : i32
      %dma_wait3A_107 = arith.constant 0 : i32
      %dma_wait3A_108 = tpu.memref_slice %arg4[%add3A, %dma_wait3A_106, %dma_wait3A_107] : memref<32x125x80xi32, #tpu.memory_space<hbm>> -> memref<1x125x80xi32, #tpu.memory_space<hbm>>
      %dma_wait3A_109 = tpu.memref_squeeze %dma_wait3A_108 : memref<1x125x80xi32, #tpu.memory_space<hbm>> -> memref<125x80xi32, #tpu.memory_space<hbm>>
      %dma_wait3A_110 = arith.constant 0 : i32
      %dma_wait3A_111 = arith.constant 0 : i32
      %dma_wait3A_112 = tpu.memref_slice %arg4[%add3A, %dma_wait3A_110, %dma_wait3A_111] : memref<32x125x80xi32, #tpu.memory_space<hbm>> -> memref<1x125x80xi32, #tpu.memory_space<hbm>>
      %dma_wait3A_113 = tpu.memref_squeeze %dma_wait3A_112 : memref<1x125x80xi32, #tpu.memory_space<hbm>> -> memref<125x80xi32, #tpu.memory_space<hbm>>
      tpu.wait_dma2 semaphore(%run_scoped3A_97 : memref<!tpu.dma_semaphore, #tpu.memory_space<semaphore_mem>>) src(%dma_wait3A_113 : memref<125x80xi32, #tpu.memory_space<hbm>>) dst(%arg8 : memref<125x80xi32, #tpu.memory_space<vmem>>)
      tpu.yield
    }) : () -> ()
    %barrier3A = arith.constant 0 : index
    tpu.barrier barrier_id(%barrier3A)
    %dma_start3A = arith.constant 0 : i32
    %dma_start3A_5 = arith.constant 0 : i32
    %dma_start3A_6 = arith.constant 0 : i32
    %dma_start3A_7 = tpu.memref_slice %arg9[%dma_start3A, %dma_start3A_5, %dma_start3A_6] : memref<2x80x128xf32, #tpu.memory_space<vmem>> -> memref<1x80x128xf32, #tpu.memory_space<vmem>>
    %dma_start3A_8 = tpu.memref_squeeze %dma_start3A_7 : memref<1x80x128xf32, #tpu.memory_space<vmem>> -> memref<80x128xf32, #tpu.memory_space<vmem>>
    %dma_start3A_9 = arith.constant 0 : i32
    %dma_start3A_10 = tpu.memref_slice %arg7[%dma_start3A_9] : memref<10000xi32, #tpu.memory_space<vmem>> -> memref<80xi32, #tpu.memory_space<vmem>>
    %dma_start3A_11 = arith.constant 0 : i32
    %dma_start3A_12 = arith.constant 0 : i32
    %dma_start3A_13 = tpu.memref_slice %arg2[%dma_start3A_11, %dma_start3A_12] : memref<10000x128xf32, #tpu.memory_space<hbm>> -> memref<10000x128xf32, #tpu.memory_space<hbm>>
    tpu.enqueue_indirect_dma source(%dma_start3A_13 : memref<10000x128xf32, #tpu.memory_space<hbm>>) target(%dma_start3A_8 : memref<80x128xf32, #tpu.memory_space<vmem>>) offsets(%dma_start3A_10 : memref<80xi32, #tpu.memory_space<vmem>>) semaphore(%arg11 : memref<!tpu.dma_semaphore, #tpu.memory_space<semaphore_mem>>)
    %dma_start3A_14 = arith.constant 1 : i32
    %dma_start3A_15 = arith.constant 0 : i32
    %dma_start3A_16 = arith.constant 0 : i32
    %dma_start3A_17 = tpu.memref_slice %arg9[%dma_start3A_14, %dma_start3A_15, %dma_start3A_16] : memref<2x80x128xf32, #tpu.memory_space<vmem>> -> memref<1x80x128xf32, #tpu.memory_space<vmem>>
    %dma_start3A_18 = tpu.memref_squeeze %dma_start3A_17 : memref<1x80x128xf32, #tpu.memory_space<vmem>> -> memref<80x128xf32, #tpu.memory_space<vmem>>
    %dma_start3A_19 = arith.constant 80 : i32
    %dma_start3A_20 = tpu.memref_slice %arg7[%dma_start3A_19] : memref<10000xi32, #tpu.memory_space<vmem>> -> memref<80xi32, #tpu.memory_space<vmem>>
    %dma_start3A_21 = arith.constant 0 : i32
    %dma_start3A_22 = arith.constant 0 : i32
    %dma_start3A_23 = tpu.memref_slice %arg2[%dma_start3A_21, %dma_start3A_22] : memref<10000x128xf32, #tpu.memory_space<hbm>> -> memref<10000x128xf32, #tpu.memory_space<hbm>>
    tpu.enqueue_indirect_dma source(%dma_start3A_23 : memref<10000x128xf32, #tpu.memory_space<hbm>>) target(%dma_start3A_18 : memref<80x128xf32, #tpu.memory_space<vmem>>) offsets(%dma_start3A_20 : memref<80xi32, #tpu.memory_space<vmem>>) semaphore(%arg12 : memref<!tpu.dma_semaphore, #tpu.memory_space<semaphore_mem>>)
    %scan3A = arith.constant 0 : i32
    %scan3A_24 = arith.constant 61 : i32
    %scan3A_25 = arith.addi %scan3A, %scan3A_24 : i32
    %scan3A_26 = arith.constant 1 : i32
    scf.for %scan3A_97 = %scan3A to %scan3A_25 step %scan3A_26  : i32 {
      %mul3A_98 = arith.constant 2 : i32
      %mul3A_99 = arith.muli %scan3A_97, %mul3A_98 : i32
      %add3A_100 = arith.constant 0 : i32
      %add3A_101 = arith.addi %add3A_100, %mul3A_99 : i32
      %dma_wait3A_102 = arith.constant 0 : i32
      %dma_wait3A_103 = arith.constant 0 : i32
      %dma_wait3A_104 = arith.constant 0 : i32
      %dma_wait3A_105 = tpu.memref_slice %arg9[%dma_wait3A_102, %dma_wait3A_103, %dma_wait3A_104] : memref<2x80x128xf32, #tpu.memory_space<vmem>> -> memref<1x80x128xf32, #tpu.memory_space<vmem>>
      %dma_wait3A_106 = tpu.memref_squeeze %dma_wait3A_105 : memref<1x80x128xf32, #tpu.memory_space<vmem>> -> memref<80x128xf32, #tpu.memory_space<vmem>>
      %dma_wait3A_107 = arith.constant 0 : i32
      %dma_wait3A_108 = arith.constant 0 : i32
      %dma_wait3A_109 = tpu.memref_slice %arg2[%dma_wait3A_107, %dma_wait3A_108] : memref<10000x128xf32, #tpu.memory_space<hbm>> -> memref<80x128xf32, #tpu.memory_space<hbm>>
      %dma_wait3A_110 = arith.constant 0 : i32
      %dma_wait3A_111 = arith.constant 0 : i32
      %dma_wait3A_112 = tpu.memref_slice %arg9[%dma_wait3A_102, %dma_wait3A_110, %dma_wait3A_111] : memref<2x80x128xf32, #tpu.memory_space<vmem>> -> memref<1x80x128xf32, #tpu.memory_space<vmem>>
      %dma_wait3A_113 = tpu.memref_squeeze %dma_wait3A_112 : memref<1x80x128xf32, #tpu.memory_space<vmem>> -> memref<80x128xf32, #tpu.memory_space<vmem>>
      %dma_wait3A_114 = arith.constant 0 : i32
      %dma_wait3A_115 = arith.constant 0 : i32
      %dma_wait3A_116 = tpu.memref_slice %arg2[%dma_wait3A_114, %dma_wait3A_115] : memref<10000x128xf32, #tpu.memory_space<hbm>> -> memref<80x128xf32, #tpu.memory_space<hbm>>
      tpu.wait_dma2 semaphore(%arg11 : memref<!tpu.dma_semaphore, #tpu.memory_space<semaphore_mem>>) src(%dma_wait3A_116 : memref<80x128xf32, #tpu.memory_space<hbm>>) dst(%dma_wait3A_113 : memref<80x128xf32, #tpu.memory_space<vmem>>)
      %run_scoped3A_117 = arith.constant 0 : i32
      "tpu.region"() ({
        %run_scoped3A_162 = tpu.sem_alloc : memref<!tpu.dma_semaphore, #tpu.memory_space<semaphore_mem>>
        %dma_start3A_163 = arith.constant 0 : i32
        %dma_start3A_164 = arith.constant 0 : i32
        %dma_start3A_165 = tpu.memref_slice %arg9[%run_scoped3A_117, %dma_start3A_163, %dma_start3A_164] : memref<2x80x128xf32, #tpu.memory_space<vmem>> -> memref<1x80x128xf32, #tpu.memory_space<vmem>>
        %dma_start3A_166 = tpu.memref_squeeze %dma_start3A_165 : memref<1x80x128xf32, #tpu.memory_space<vmem>> -> memref<80x128xf32, #tpu.memory_space<vmem>>
        %dma_start3A_167 = arith.constant 0 : i32
        %dma_start3A_168 = tpu.memref_slice %arg8[%add3A_101, %dma_start3A_167] : memref<125x80xi32, #tpu.memory_space<vmem>> -> memref<1x80xi32, #tpu.memory_space<vmem>>
        %dma_start3A_169 = tpu.memref_squeeze %dma_start3A_168 : memref<1x80xi32, #tpu.memory_space<vmem>> -> memref<80xi32, #tpu.memory_space<vmem>>
        %dma_start3A_170 = arith.constant 0 : i32
        %dma_start3A_171 = arith.constant 0 : i32
        %dma_start3A_172 = tpu.memref_slice %arg10[%dma_start3A_170, %dma_start3A_171] : memref<10000x128xf32, #tpu.memory_space<vmem_shared>> -> memref<10000x128xf32, #tpu.memory_space<vmem_shared>>
        tpu.enqueue_indirect_dma source(%dma_start3A_166 : memref<80x128xf32, #tpu.memory_space<vmem>>) target(%dma_start3A_172 : memref<10000x128xf32, #tpu.memory_space<vmem_shared>>) offsets(%dma_start3A_169 : memref<80xi32, #tpu.memory_space<vmem>>) semaphore(%run_scoped3A_162 : memref<!tpu.dma_semaphore, #tpu.memory_space<semaphore_mem>>) {add = true}
        %dma_wait3A_173 = arith.constant 0 : i32
        %dma_wait3A_174 = arith.constant 0 : i32
        %dma_wait3A_175 = tpu.memref_slice %arg9[%run_scoped3A_117, %dma_wait3A_173, %dma_wait3A_174] : memref<2x80x128xf32, #tpu.memory_space<vmem>> -> memref<1x80x128xf32, #tpu.memory_space<vmem>>
        %dma_wait3A_176 = tpu.memref_squeeze %dma_wait3A_175 : memref<1x80x128xf32, #tpu.memory_space<vmem>> -> memref<80x128xf32, #tpu.memory_space<vmem>>
        %dma_wait3A_177 = arith.constant 0 : i32
        %dma_wait3A_178 = tpu.memref_slice %arg8[%add3A_101, %dma_wait3A_177] : memref<125x80xi32, #tpu.memory_space<vmem>> -> memref<1x80xi32, #tpu.memory_space<vmem>>
        %dma_wait3A_179 = tpu.memref_squeeze %dma_wait3A_178 : memref<1x80xi32, #tpu.memory_space<vmem>> -> memref<80xi32, #tpu.memory_space<vmem>>
        %dma_wait3A_180 = arith.constant 0 : i32
        %dma_wait3A_181 = arith.constant 0 : i32
        %dma_wait3A_182 = tpu.memref_slice %arg10[%dma_wait3A_180, %dma_wait3A_181] : memref<10000x128xf32, #tpu.memory_space<vmem_shared>> -> memref<10000x128xf32, #tpu.memory_space<vmem_shared>>
        tpu.wait_indirect_dma semaphore(%run_scoped3A_162 : memref<!tpu.dma_semaphore, #tpu.memory_space<semaphore_mem>>) src(%dma_wait3A_176 : memref<80x128xf32, #tpu.memory_space<vmem>>) dst(%dma_wait3A_182 : memref<10000x128xf32, #tpu.memory_space<vmem_shared>>)
        tpu.yield
      }) : () -> ()
      %add3A_118 = arith.constant 2 : i32
      %add3A_119 = arith.addi %add3A_101, %add3A_118 : i32
      %mul3A_120 = arith.constant 80 : i32
      %mul3A_121 = arith.muli %add3A_119, %mul3A_120 : i32
      %dma_start3A_122 = arith.constant 0 : i32
      %dma_start3A_123 = arith.constant 0 : i32
      %dma_start3A_124 = arith.constant 0 : i32
      %dma_start3A_125 = tpu.memref_slice %arg9[%dma_start3A_122, %dma_start3A_123, %dma_start3A_124] : memref<2x80x128xf32, #tpu.memory_space<vmem>> -> memref<1x80x128xf32, #tpu.memory_space<vmem>>
      %dma_start3A_126 = tpu.memref_squeeze %dma_start3A_125 : memref<1x80x128xf32, #tpu.memory_space<vmem>> -> memref<80x128xf32, #tpu.memory_space<vmem>>
      %dma_start3A_127 = tpu.memref_slice %arg7[%mul3A_121] : memref<10000xi32, #tpu.memory_space<vmem>> -> memref<80xi32, #tpu.memory_space<vmem>>
      %dma_start3A_128 = arith.constant 0 : i32
      %dma_start3A_129 = arith.constant 0 : i32
      %dma_start3A_130 = tpu.memref_slice %arg2[%dma_start3A_128, %dma_start3A_129] : memref<10000x128xf32, #tpu.memory_space<hbm>> -> memref<10000x128xf32, #tpu.memory_space<hbm>>
      tpu.enqueue_indirect_dma source(%dma_start3A_130 : memref<10000x128xf32, #tpu.memory_space<hbm>>) target(%dma_start3A_126 : memref<80x128xf32, #tpu.memory_space<vmem>>) offsets(%dma_start3A_127 : memref<80xi32, #tpu.memory_space<vmem>>) semaphore(%arg11 : memref<!tpu.dma_semaphore, #tpu.memory_space<semaphore_mem>>)
      %dma_wait3A_131 = arith.constant 1 : i32
      %dma_wait3A_132 = arith.constant 0 : i32
      %dma_wait3A_133 = arith.constant 0 : i32
      %dma_wait3A_134 = tpu.memref_slice %arg9[%dma_wait3A_131, %dma_wait3A_132, %dma_wait3A_133] : memref<2x80x128xf32, #tpu.memory_space<vmem>> -> memref<1x80x128xf32, #tpu.memory_space<vmem>>
      %dma_wait3A_135 = tpu.memref_squeeze %dma_wait3A_134 : memref<1x80x128xf32, #tpu.memory_space<vmem>> -> memref<80x128xf32, #tpu.memory_space<vmem>>
      %dma_wait3A_136 = arith.constant 0 : i32
      %dma_wait3A_137 = arith.constant 0 : i32
      %dma_wait3A_138 = tpu.memref_slice %arg2[%dma_wait3A_136, %dma_wait3A_137] : memref<10000x128xf32, #tpu.memory_space<hbm>> -> memref<80x128xf32, #tpu.memory_space<hbm>>
      %dma_wait3A_139 = arith.constant 0 : i32
      %dma_wait3A_140 = arith.constant 0 : i32
      %dma_wait3A_141 = tpu.memref_slice %arg9[%dma_wait3A_131, %dma_wait3A_139, %dma_wait3A_140] : memref<2x80x128xf32, #tpu.memory_space<vmem>> -> memref<1x80x128xf32, #tpu.memory_space<vmem>>
      %dma_wait3A_142 = tpu.memref_squeeze %dma_wait3A_141 : memref<1x80x128xf32, #tpu.memory_space<vmem>> -> memref<80x128xf32, #tpu.memory_space<vmem>>
      %dma_wait3A_143 = arith.constant 0 : i32
      %dma_wait3A_144 = arith.constant 0 : i32
      %dma_wait3A_145 = tpu.memref_slice %arg2[%dma_wait3A_143, %dma_wait3A_144] : memref<10000x128xf32, #tpu.memory_space<hbm>> -> memref<80x128xf32, #tpu.memory_space<hbm>>
      tpu.wait_dma2 semaphore(%arg12 : memref<!tpu.dma_semaphore, #tpu.memory_space<semaphore_mem>>) src(%dma_wait3A_145 : memref<80x128xf32, #tpu.memory_space<hbm>>) dst(%dma_wait3A_142 : memref<80x128xf32, #tpu.memory_space<vmem>>)
      %add3A_146 = arith.constant 1 : i32
      %add3A_147 = arith.addi %add3A_101, %add3A_146 : i32
      %run_scoped3A_148 = arith.constant 1 : i32
      "tpu.region"() ({
        %run_scoped3A_162 = tpu.sem_alloc : memref<!tpu.dma_semaphore, #tpu.memory_space<semaphore_mem>>
        %dma_start3A_163 = arith.constant 0 : i32
        %dma_start3A_164 = arith.constant 0 : i32
        %dma_start3A_165 = tpu.memref_slice %arg9[%run_scoped3A_148, %dma_start3A_163, %dma_start3A_164] : memref<2x80x128xf32, #tpu.memory_space<vmem>> -> memref<1x80x128xf32, #tpu.memory_space<vmem>>
        %dma_start3A_166 = tpu.memref_squeeze %dma_start3A_165 : memref<1x80x128xf32, #tpu.memory_space<vmem>> -> memref<80x128xf32, #tpu.memory_space<vmem>>
        %dma_start3A_167 = arith.constant 0 : i32
        %dma_start3A_168 = tpu.memref_slice %arg8[%add3A_147, %dma_start3A_167] : memref<125x80xi32, #tpu.memory_space<vmem>> -> memref<1x80xi32, #tpu.memory_space<vmem>>
        %dma_start3A_169 = tpu.memref_squeeze %dma_start3A_168 : memref<1x80xi32, #tpu.memory_space<vmem>> -> memref<80xi32, #tpu.memory_space<vmem>>
        %dma_start3A_170 = arith.constant 0 : i32
        %dma_start3A_171 = arith.constant 0 : i32
        %dma_start3A_172 = tpu.memref_slice %arg10[%dma_start3A_170, %dma_start3A_171] : memref<10000x128xf32, #tpu.memory_space<vmem_shared>> -> memref<10000x128xf32, #tpu.memory_space<vmem_shared>>
        tpu.enqueue_indirect_dma source(%dma_start3A_166 : memref<80x128xf32, #tpu.memory_space<vmem>>) target(%dma_start3A_172 : memref<10000x128xf32, #tpu.memory_space<vmem_shared>>) offsets(%dma_start3A_169 : memref<80xi32, #tpu.memory_space<vmem>>) semaphore(%run_scoped3A_162 : memref<!tpu.dma_semaphore, #tpu.memory_space<semaphore_mem>>) {add = true}
        %dma_wait3A_173 = arith.constant 0 : i32
        %dma_wait3A_174 = arith.constant 0 : i32
        %dma_wait3A_175 = tpu.memref_slice %arg9[%run_scoped3A_148, %dma_wait3A_173, %dma_wait3A_174] : memref<2x80x128xf32, #tpu.memory_space<vmem>> -> memref<1x80x128xf32, #tpu.memory_space<vmem>>
        %dma_wait3A_176 = tpu.memref_squeeze %dma_wait3A_175 : memref<1x80x128xf32, #tpu.memory_space<vmem>> -> memref<80x128xf32, #tpu.memory_space<vmem>>
        %dma_wait3A_177 = arith.constant 0 : i32
        %dma_wait3A_178 = tpu.memref_slice %arg8[%add3A_147, %dma_wait3A_177] : memref<125x80xi32, #tpu.memory_space<vmem>> -> memref<1x80xi32, #tpu.memory_space<vmem>>
        %dma_wait3A_179 = tpu.memref_squeeze %dma_wait3A_178 : memref<1x80xi32, #tpu.memory_space<vmem>> -> memref<80xi32, #tpu.memory_space<vmem>>
        %dma_wait3A_180 = arith.constant 0 : i32
        %dma_wait3A_181 = arith.constant 0 : i32
        %dma_wait3A_182 = tpu.memref_slice %arg10[%dma_wait3A_180, %dma_wait3A_181] : memref<10000x128xf32, #tpu.memory_space<vmem_shared>> -> memref<10000x128xf32, #tpu.memory_space<vmem_shared>>
        tpu.wait_indirect_dma semaphore(%run_scoped3A_162 : memref<!tpu.dma_semaphore, #tpu.memory_space<semaphore_mem>>) src(%dma_wait3A_176 : memref<80x128xf32, #tpu.memory_space<vmem>>) dst(%dma_wait3A_182 : memref<10000x128xf32, #tpu.memory_space<vmem_shared>>)
        tpu.yield
      }) : () -> ()
      %add3A_149 = arith.constant 3 : i32
      %add3A_150 = arith.addi %add3A_101, %add3A_149 : i32
      %mul3A_151 = arith.constant 80 : i32
      %mul3A_152 = arith.muli %add3A_150, %mul3A_151 : i32
      %dma_start3A_153 = arith.constant 1 : i32
      %dma_start3A_154 = arith.constant 0 : i32
      %dma_start3A_155 = arith.constant 0 : i32
      %dma_start3A_156 = tpu.memref_slice %arg9[%dma_start3A_153, %dma_start3A_154, %dma_start3A_155] : memref<2x80x128xf32, #tpu.memory_space<vmem>> -> memref<1x80x128xf32, #tpu.memory_space<vmem>>
      %dma_start3A_157 = tpu.memref_squeeze %dma_start3A_156 : memref<1x80x128xf32, #tpu.memory_space<vmem>> -> memref<80x128xf32, #tpu.memory_space<vmem>>
      %dma_start3A_158 = tpu.memref_slice %arg7[%mul3A_152] : memref<10000xi32, #tpu.memory_space<vmem>> -> memref<80xi32, #tpu.memory_space<vmem>>
      %dma_start3A_159 = arith.constant 0 : i32
      %dma_start3A_160 = arith.constant 0 : i32
      %dma_start3A_161 = tpu.memref_slice %arg2[%dma_start3A_159, %dma_start3A_160] : memref<10000x128xf32, #tpu.memory_space<hbm>> -> memref<10000x128xf32, #tpu.memory_space<hbm>>
      tpu.enqueue_indirect_dma source(%dma_start3A_161 : memref<10000x128xf32, #tpu.memory_space<hbm>>) target(%dma_start3A_157 : memref<80x128xf32, #tpu.memory_space<vmem>>) offsets(%dma_start3A_158 : memref<80xi32, #tpu.memory_space<vmem>>) semaphore(%arg12 : memref<!tpu.dma_semaphore, #tpu.memory_space<semaphore_mem>>)
    }
    %scan3A_27 = arith.constant 61 : i32
    %dma_wait3A = arith.constant 0 : i32
    %dma_wait3A_28 = arith.constant 0 : i32
    %dma_wait3A_29 = arith.constant 0 : i32
    %dma_wait3A_30 = tpu.memref_slice %arg9[%dma_wait3A, %dma_wait3A_28, %dma_wait3A_29] : memref<2x80x128xf32, #tpu.memory_space<vmem>> -> memref<1x80x128xf32, #tpu.memory_space<vmem>>
    %dma_wait3A_31 = tpu.memref_squeeze %dma_wait3A_30 : memref<1x80x128xf32, #tpu.memory_space<vmem>> -> memref<80x128xf32, #tpu.memory_space<vmem>>
    %dma_wait3A_32 = arith.constant 0 : i32
    %dma_wait3A_33 = arith.constant 0 : i32
    %dma_wait3A_34 = tpu.memref_slice %arg2[%dma_wait3A_32, %dma_wait3A_33] : memref<10000x128xf32, #tpu.memory_space<hbm>> -> memref<80x128xf32, #tpu.memory_space<hbm>>
    %dma_wait3A_35 = arith.constant 0 : i32
    %dma_wait3A_36 = arith.constant 0 : i32
    %dma_wait3A_37 = tpu.memref_slice %arg9[%dma_wait3A, %dma_wait3A_35, %dma_wait3A_36] : memref<2x80x128xf32, #tpu.memory_space<vmem>> -> memref<1x80x128xf32, #tpu.memory_space<vmem>>
    %dma_wait3A_38 = tpu.memref_squeeze %dma_wait3A_37 : memref<1x80x128xf32, #tpu.memory_space<vmem>> -> memref<80x128xf32, #tpu.memory_space<vmem>>
    %dma_wait3A_39 = arith.constant 0 : i32
    %dma_wait3A_40 = arith.constant 0 : i32
    %dma_wait3A_41 = tpu.memref_slice %arg2[%dma_wait3A_39, %dma_wait3A_40] : memref<10000x128xf32, #tpu.memory_space<hbm>> -> memref<80x128xf32, #tpu.memory_space<hbm>>
    tpu.wait_dma2 semaphore(%arg11 : memref<!tpu.dma_semaphore, #tpu.memory_space<semaphore_mem>>) src(%dma_wait3A_41 : memref<80x128xf32, #tpu.memory_space<hbm>>) dst(%dma_wait3A_38 : memref<80x128xf32, #tpu.memory_space<vmem>>)
    %run_scoped3A = arith.constant 0 : i32
    %run_scoped3A_42 = arith.constant 122 : i32
    "tpu.region"() ({
      %run_scoped3A_97 = tpu.sem_alloc : memref<!tpu.dma_semaphore, #tpu.memory_space<semaphore_mem>>
      %dma_start3A_98 = arith.constant 0 : i32
      %dma_start3A_99 = arith.constant 0 : i32
      %dma_start3A_100 = tpu.memref_slice %arg9[%run_scoped3A, %dma_start3A_98, %dma_start3A_99] : memref<2x80x128xf32, #tpu.memory_space<vmem>> -> memref<1x80x128xf32, #tpu.memory_space<vmem>>
      %dma_start3A_101 = tpu.memref_squeeze %dma_start3A_100 : memref<1x80x128xf32, #tpu.memory_space<vmem>> -> memref<80x128xf32, #tpu.memory_space<vmem>>
      %dma_start3A_102 = arith.constant 0 : i32
      %dma_start3A_103 = tpu.memref_slice %arg8[%run_scoped3A_42, %dma_start3A_102] : memref<125x80xi32, #tpu.memory_space<vmem>> -> memref<1x80xi32, #tpu.memory_space<vmem>>
      %dma_start3A_104 = tpu.memref_squeeze %dma_start3A_103 : memref<1x80xi32, #tpu.memory_space<vmem>> -> memref<80xi32, #tpu.memory_space<vmem>>
      %dma_start3A_105 = arith.constant 0 : i32
      %dma_start3A_106 = arith.constant 0 : i32
      %dma_start3A_107 = tpu.memref_slice %arg10[%dma_start3A_105, %dma_start3A_106] : memref<10000x128xf32, #tpu.memory_space<vmem_shared>> -> memref<10000x128xf32, #tpu.memory_space<vmem_shared>>
      tpu.enqueue_indirect_dma source(%dma_start3A_101 : memref<80x128xf32, #tpu.memory_space<vmem>>) target(%dma_start3A_107 : memref<10000x128xf32, #tpu.memory_space<vmem_shared>>) offsets(%dma_start3A_104 : memref<80xi32, #tpu.memory_space<vmem>>) semaphore(%run_scoped3A_97 : memref<!tpu.dma_semaphore, #tpu.memory_space<semaphore_mem>>) {add = true}
      %dma_wait3A_108 = arith.constant 0 : i32
      %dma_wait3A_109 = arith.constant 0 : i32
      %dma_wait3A_110 = tpu.memref_slice %arg9[%run_scoped3A, %dma_wait3A_108, %dma_wait3A_109] : memref<2x80x128xf32, #tpu.memory_space<vmem>> -> memref<1x80x128xf32, #tpu.memory_space<vmem>>
      %dma_wait3A_111 = tpu.memref_squeeze %dma_wait3A_110 : memref<1x80x128xf32, #tpu.memory_space<vmem>> -> memref<80x128xf32, #tpu.memory_space<vmem>>
      %dma_wait3A_112 = arith.constant 0 : i32
      %dma_wait3A_113 = tpu.memref_slice %arg8[%run_scoped3A_42, %dma_wait3A_112] : memref<125x80xi32, #tpu.memory_space<vmem>> -> memref<1x80xi32, #tpu.memory_space<vmem>>
      %dma_wait3A_114 = tpu.memref_squeeze %dma_wait3A_113 : memref<1x80xi32, #tpu.memory_space<vmem>> -> memref<80xi32, #tpu.memory_space<vmem>>
      %dma_wait3A_115 = arith.constant 0 : i32
      %dma_wait3A_116 = arith.constant 0 : i32
      %dma_wait3A_117 = tpu.memref_slice %arg10[%dma_wait3A_115, %dma_wait3A_116] : memref<10000x128xf32, #tpu.memory_space<vmem_shared>> -> memref<10000x128xf32, #tpu.memory_space<vmem_shared>>
      tpu.wait_indirect_dma semaphore(%run_scoped3A_97 : memref<!tpu.dma_semaphore, #tpu.memory_space<semaphore_mem>>) src(%dma_wait3A_111 : memref<80x128xf32, #tpu.memory_space<vmem>>) dst(%dma_wait3A_117 : memref<10000x128xf32, #tpu.memory_space<vmem_shared>>)
      tpu.yield
    }) : () -> ()
    %dma_start3A_43 = arith.constant 0 : i32
    %dma_start3A_44 = arith.constant 0 : i32
    %dma_start3A_45 = arith.constant 0 : i32
    %dma_start3A_46 = tpu.memref_slice %arg9[%dma_start3A_43, %dma_start3A_44, %dma_start3A_45] : memref<2x80x128xf32, #tpu.memory_space<vmem>> -> memref<1x80x128xf32, #tpu.memory_space<vmem>>
    %dma_start3A_47 = tpu.memref_squeeze %dma_start3A_46 : memref<1x80x128xf32, #tpu.memory_space<vmem>> -> memref<80x128xf32, #tpu.memory_space<vmem>>
    %dma_start3A_48 = arith.constant 9920 : i32
    %dma_start3A_49 = tpu.memref_slice %arg7[%dma_start3A_48] : memref<10000xi32, #tpu.memory_space<vmem>> -> memref<80xi32, #tpu.memory_space<vmem>>
    %dma_start3A_50 = arith.constant 0 : i32
    %dma_start3A_51 = arith.constant 0 : i32
    %dma_start3A_52 = tpu.memref_slice %arg2[%dma_start3A_50, %dma_start3A_51] : memref<10000x128xf32, #tpu.memory_space<hbm>> -> memref<10000x128xf32, #tpu.memory_space<hbm>>
    tpu.enqueue_indirect_dma source(%dma_start3A_52 : memref<10000x128xf32, #tpu.memory_space<hbm>>) target(%dma_start3A_47 : memref<80x128xf32, #tpu.memory_space<vmem>>) offsets(%dma_start3A_49 : memref<80xi32, #tpu.memory_space<vmem>>) semaphore(%arg11 : memref<!tpu.dma_semaphore, #tpu.memory_space<semaphore_mem>>)
    %dma_wait3A_53 = arith.constant 1 : i32
    %dma_wait3A_54 = arith.constant 0 : i32
    %dma_wait3A_55 = arith.constant 0 : i32
    %dma_wait3A_56 = tpu.memref_slice %arg9[%dma_wait3A_53, %dma_wait3A_54, %dma_wait3A_55] : memref<2x80x128xf32, #tpu.memory_space<vmem>> -> memref<1x80x128xf32, #tpu.memory_space<vmem>>
    %dma_wait3A_57 = tpu.memref_squeeze %dma_wait3A_56 : memref<1x80x128xf32, #tpu.memory_space<vmem>> -> memref<80x128xf32, #tpu.memory_space<vmem>>
    %dma_wait3A_58 = arith.constant 0 : i32
    %dma_wait3A_59 = arith.constant 0 : i32
    %dma_wait3A_60 = tpu.memref_slice %arg2[%dma_wait3A_58, %dma_wait3A_59] : memref<10000x128xf32, #tpu.memory_space<hbm>> -> memref<80x128xf32, #tpu.memory_space<hbm>>
    %dma_wait3A_61 = arith.constant 0 : i32
    %dma_wait3A_62 = arith.constant 0 : i32
    %dma_wait3A_63 = tpu.memref_slice %arg9[%dma_wait3A_53, %dma_wait3A_61, %dma_wait3A_62] : memref<2x80x128xf32, #tpu.memory_space<vmem>> -> memref<1x80x128xf32, #tpu.memory_space<vmem>>
    %dma_wait3A_64 = tpu.memref_squeeze %dma_wait3A_63 : memref<1x80x128xf32, #tpu.memory_space<vmem>> -> memref<80x128xf32, #tpu.memory_space<vmem>>
    %dma_wait3A_65 = arith.constant 0 : i32
    %dma_wait3A_66 = arith.constant 0 : i32
    %dma_wait3A_67 = tpu.memref_slice %arg2[%dma_wait3A_65, %dma_wait3A_66] : memref<10000x128xf32, #tpu.memory_space<hbm>> -> memref<80x128xf32, #tpu.memory_space<hbm>>
    tpu.wait_dma2 semaphore(%arg12 : memref<!tpu.dma_semaphore, #tpu.memory_space<semaphore_mem>>) src(%dma_wait3A_67 : memref<80x128xf32, #tpu.memory_space<hbm>>) dst(%dma_wait3A_64 : memref<80x128xf32, #tpu.memory_space<vmem>>)
    %run_scoped3A_68 = arith.constant 1 : i32
    %run_scoped3A_69 = arith.constant 123 : i32
    "tpu.region"() ({
      %run_scoped3A_97 = tpu.sem_alloc : memref<!tpu.dma_semaphore, #tpu.memory_space<semaphore_mem>>
      %dma_start3A_98 = arith.constant 0 : i32
      %dma_start3A_99 = arith.constant 0 : i32
      %dma_start3A_100 = tpu.memref_slice %arg9[%run_scoped3A_68, %dma_start3A_98, %dma_start3A_99] : memref<2x80x128xf32, #tpu.memory_space<vmem>> -> memref<1x80x128xf32, #tpu.memory_space<vmem>>
      %dma_start3A_101 = tpu.memref_squeeze %dma_start3A_100 : memref<1x80x128xf32, #tpu.memory_space<vmem>> -> memref<80x128xf32, #tpu.memory_space<vmem>>
      %dma_start3A_102 = arith.constant 0 : i32
      %dma_start3A_103 = tpu.memref_slice %arg8[%run_scoped3A_69, %dma_start3A_102] : memref<125x80xi32, #tpu.memory_space<vmem>> -> memref<1x80xi32, #tpu.memory_space<vmem>>
      %dma_start3A_104 = tpu.memref_squeeze %dma_start3A_103 : memref<1x80xi32, #tpu.memory_space<vmem>> -> memref<80xi32, #tpu.memory_space<vmem>>
      %dma_start3A_105 = arith.constant 0 : i32
      %dma_start3A_106 = arith.constant 0 : i32
      %dma_start3A_107 = tpu.memref_slice %arg10[%dma_start3A_105, %dma_start3A_106] : memref<10000x128xf32, #tpu.memory_space<vmem_shared>> -> memref<10000x128xf32, #tpu.memory_space<vmem_shared>>
      tpu.enqueue_indirect_dma source(%dma_start3A_101 : memref<80x128xf32, #tpu.memory_space<vmem>>) target(%dma_start3A_107 : memref<10000x128xf32, #tpu.memory_space<vmem_shared>>) offsets(%dma_start3A_104 : memref<80xi32, #tpu.memory_space<vmem>>) semaphore(%run_scoped3A_97 : memref<!tpu.dma_semaphore, #tpu.memory_space<semaphore_mem>>) {add = true}
      %dma_wait3A_108 = arith.constant 0 : i32
      %dma_wait3A_109 = arith.constant 0 : i32
      %dma_wait3A_110 = tpu.memref_slice %arg9[%run_scoped3A_68, %dma_wait3A_108, %dma_wait3A_109] : memref<2x80x128xf32, #tpu.memory_space<vmem>> -> memref<1x80x128xf32, #tpu.memory_space<vmem>>
      %dma_wait3A_111 = tpu.memref_squeeze %dma_wait3A_110 : memref<1x80x128xf32, #tpu.memory_space<vmem>> -> memref<80x128xf32, #tpu.memory_space<vmem>>
      %dma_wait3A_112 = arith.constant 0 : i32
      %dma_wait3A_113 = tpu.memref_slice %arg8[%run_scoped3A_69, %dma_wait3A_112] : memref<125x80xi32, #tpu.memory_space<vmem>> -> memref<1x80xi32, #tpu.memory_space<vmem>>
      %dma_wait3A_114 = tpu.memref_squeeze %dma_wait3A_113 : memref<1x80xi32, #tpu.memory_space<vmem>> -> memref<80xi32, #tpu.memory_space<vmem>>
      %dma_wait3A_115 = arith.constant 0 : i32
      %dma_wait3A_116 = arith.constant 0 : i32
      %dma_wait3A_117 = tpu.memref_slice %arg10[%dma_wait3A_115, %dma_wait3A_116] : memref<10000x128xf32, #tpu.memory_space<vmem_shared>> -> memref<10000x128xf32, #tpu.memory_space<vmem_shared>>
      tpu.wait_indirect_dma semaphore(%run_scoped3A_97 : memref<!tpu.dma_semaphore, #tpu.memory_space<semaphore_mem>>) src(%dma_wait3A_111 : memref<80x128xf32, #tpu.memory_space<vmem>>) dst(%dma_wait3A_117 : memref<10000x128xf32, #tpu.memory_space<vmem_shared>>)
      tpu.yield
    }) : () -> ()
    %dma_wait3A_70 = arith.constant 0 : i32
    %dma_wait3A_71 = arith.constant 0 : i32
    %dma_wait3A_72 = arith.constant 0 : i32
    %dma_wait3A_73 = tpu.memref_slice %arg9[%dma_wait3A_70, %dma_wait3A_71, %dma_wait3A_72] : memref<2x80x128xf32, #tpu.memory_space<vmem>> -> memref<1x80x128xf32, #tpu.memory_space<vmem>>
    %dma_wait3A_74 = tpu.memref_squeeze %dma_wait3A_73 : memref<1x80x128xf32, #tpu.memory_space<vmem>> -> memref<80x128xf32, #tpu.memory_space<vmem>>
    %dma_wait3A_75 = arith.constant 0 : i32
    %dma_wait3A_76 = arith.constant 0 : i32
    %dma_wait3A_77 = tpu.memref_slice %arg2[%dma_wait3A_75, %dma_wait3A_76] : memref<10000x128xf32, #tpu.memory_space<hbm>> -> memref<80x128xf32, #tpu.memory_space<hbm>>
    %dma_wait3A_78 = arith.constant 0 : i32
    %dma_wait3A_79 = arith.constant 0 : i32
    %dma_wait3A_80 = tpu.memref_slice %arg9[%dma_wait3A_70, %dma_wait3A_78, %dma_wait3A_79] : memref<2x80x128xf32, #tpu.memory_space<vmem>> -> memref<1x80x128xf32, #tpu.memory_space<vmem>>
    %dma_wait3A_81 = tpu.memref_squeeze %dma_wait3A_80 : memref<1x80x128xf32, #tpu.memory_space<vmem>> -> memref<80x128xf32, #tpu.memory_space<vmem>>
    %dma_wait3A_82 = arith.constant 0 : i32
    %dma_wait3A_83 = arith.constant 0 : i32
    %dma_wait3A_84 = tpu.memref_slice %arg2[%dma_wait3A_82, %dma_wait3A_83] : memref<10000x128xf32, #tpu.memory_space<hbm>> -> memref<80x128xf32, #tpu.memory_space<hbm>>
    tpu.wait_dma2 semaphore(%arg11 : memref<!tpu.dma_semaphore, #tpu.memory_space<semaphore_mem>>) src(%dma_wait3A_84 : memref<80x128xf32, #tpu.memory_space<hbm>>) dst(%dma_wait3A_81 : memref<80x128xf32, #tpu.memory_space<vmem>>)
    %run_scoped3A_85 = arith.constant 0 : i32
    %run_scoped3A_86 = arith.constant 124 : i32
    "tpu.region"() ({
      %run_scoped3A_97 = tpu.sem_alloc : memref<!tpu.dma_semaphore, #tpu.memory_space<semaphore_mem>>
      %dma_start3A_98 = arith.constant 0 : i32
      %dma_start3A_99 = arith.constant 0 : i32
      %dma_start3A_100 = tpu.memref_slice %arg9[%run_scoped3A_85, %dma_start3A_98, %dma_start3A_99] : memref<2x80x128xf32, #tpu.memory_space<vmem>> -> memref<1x80x128xf32, #tpu.memory_space<vmem>>
      %dma_start3A_101 = tpu.memref_squeeze %dma_start3A_100 : memref<1x80x128xf32, #tpu.memory_space<vmem>> -> memref<80x128xf32, #tpu.memory_space<vmem>>
      %dma_start3A_102 = arith.constant 0 : i32
      %dma_start3A_103 = tpu.memref_slice %arg8[%run_scoped3A_86, %dma_start3A_102] : memref<125x80xi32, #tpu.memory_space<vmem>> -> memref<1x80xi32, #tpu.memory_space<vmem>>
      %dma_start3A_104 = tpu.memref_squeeze %dma_start3A_103 : memref<1x80xi32, #tpu.memory_space<vmem>> -> memref<80xi32, #tpu.memory_space<vmem>>
      %dma_start3A_105 = arith.constant 0 : i32
      %dma_start3A_106 = arith.constant 0 : i32
      %dma_start3A_107 = tpu.memref_slice %arg10[%dma_start3A_105, %dma_start3A_106] : memref<10000x128xf32, #tpu.memory_space<vmem_shared>> -> memref<10000x128xf32, #tpu.memory_space<vmem_shared>>
      tpu.enqueue_indirect_dma source(%dma_start3A_101 : memref<80x128xf32, #tpu.memory_space<vmem>>) target(%dma_start3A_107 : memref<10000x128xf32, #tpu.memory_space<vmem_shared>>) offsets(%dma_start3A_104 : memref<80xi32, #tpu.memory_space<vmem>>) semaphore(%run_scoped3A_97 : memref<!tpu.dma_semaphore, #tpu.memory_space<semaphore_mem>>) {add = true}
      %dma_wait3A_108 = arith.constant 0 : i32
      %dma_wait3A_109 = arith.constant 0 : i32
      %dma_wait3A_110 = tpu.memref_slice %arg9[%run_scoped3A_85, %dma_wait3A_108, %dma_wait3A_109] : memref<2x80x128xf32, #tpu.memory_space<vmem>> -> memref<1x80x128xf32, #tpu.memory_space<vmem>>
      %dma_wait3A_111 = tpu.memref_squeeze %dma_wait3A_110 : memref<1x80x128xf32, #tpu.memory_space<vmem>> -> memref<80x128xf32, #tpu.memory_space<vmem>>
      %dma_wait3A_112 = arith.constant 0 : i32
      %dma_wait3A_113 = tpu.memref_slice %arg8[%run_scoped3A_86, %dma_wait3A_112] : memref<125x80xi32, #tpu.memory_space<vmem>> -> memref<1x80xi32, #tpu.memory_space<vmem>>
      %dma_wait3A_114 = tpu.memref_squeeze %dma_wait3A_113 : memref<1x80xi32, #tpu.memory_space<vmem>> -> memref<80xi32, #tpu.memory_space<vmem>>
      %dma_wait3A_115 = arith.constant 0 : i32
      %dma_wait3A_116 = arith.constant 0 : i32
      %dma_wait3A_117 = tpu.memref_slice %arg10[%dma_wait3A_115, %dma_wait3A_116] : memref<10000x128xf32, #tpu.memory_space<vmem_shared>> -> memref<10000x128xf32, #tpu.memory_space<vmem_shared>>
      tpu.wait_indirect_dma semaphore(%run_scoped3A_97 : memref<!tpu.dma_semaphore, #tpu.memory_space<semaphore_mem>>) src(%dma_wait3A_111 : memref<80x128xf32, #tpu.memory_space<vmem>>) dst(%dma_wait3A_117 : memref<10000x128xf32, #tpu.memory_space<vmem_shared>>)
      tpu.yield
    }) : () -> ()
    %barrier3A_87 = arith.constant 0 : index
    tpu.barrier barrier_id(%barrier3A_87)
    %mul3A_88 = arith.constant 624 : i32
    %mul3A_89 = arith.muli %arg1, %mul3A_88 : i32
    %mul3A_90 = arith.constant 624 : i32
    %mul3A_91 = arith.muli %arg1, %mul3A_90 : i32
    "tpu.region"() ({
      %run_scoped3A_97 = tpu.sem_alloc : memref<!tpu.dma_semaphore, #tpu.memory_space<semaphore_mem>>
      %dma_start3A_98 = arith.constant 0 : i32
      %dma_start3A_99 = tpu.memref_slice %arg6[%arg0, %mul3A_91, %dma_start3A_98] : memref<2x10000x128xf32, #tpu.memory_space<hbm>> -> memref<1x624x128xf32, #tpu.memory_space<hbm>>
      %dma_start3A_100 = tpu.memref_squeeze %dma_start3A_99 : memref<1x624x128xf32, #tpu.memory_space<hbm>> -> memref<624x128xf32, #tpu.memory_space<hbm>>
      %dma_start3A_101 = arith.constant 0 : i32
      %dma_start3A_102 = tpu.memref_slice %arg10[%mul3A_89, %dma_start3A_101] : memref<10000x128xf32, #tpu.memory_space<vmem_shared>> -> memref<624x128xf32, #tpu.memory_space<vmem_shared>>
      tpu.enqueue_dma source(%dma_start3A_102 : memref<624x128xf32, #tpu.memory_space<vmem_shared>>) target(%dma_start3A_100 : memref<624x128xf32, #tpu.memory_space<hbm>>) target_semaphore(%run_scoped3A_97 : memref<!tpu.dma_semaphore, #tpu.memory_space<semaphore_mem>>)
      %dma_wait3A_103 = arith.constant 0 : i32
      %dma_wait3A_104 = tpu.memref_slice %arg6[%arg0, %mul3A_91, %dma_wait3A_103] : memref<2x10000x128xf32, #tpu.memory_space<hbm>> -> memref<1x624x128xf32, #tpu.memory_space<hbm>>
      %dma_wait3A_105 = tpu.memref_squeeze %dma_wait3A_104 : memref<1x624x128xf32, #tpu.memory_space<hbm>> -> memref<624x128xf32, #tpu.memory_space<hbm>>
      %dma_wait3A_106 = arith.constant 0 : i32
      %dma_wait3A_107 = tpu.memref_slice %arg10[%mul3A_89, %dma_wait3A_106] : memref<10000x128xf32, #tpu.memory_space<vmem_shared>> -> memref<624x128xf32, #tpu.memory_space<vmem_shared>>
      tpu.wait_dma2 semaphore(%run_scoped3A_97 : memref<!tpu.dma_semaphore, #tpu.memory_space<semaphore_mem>>) src(%dma_wait3A_107 : memref<624x128xf32, #tpu.memory_space<vmem_shared>>) dst(%dma_wait3A_105 : memref<624x128xf32, #tpu.memory_space<hbm>>)
      tpu.yield
    }) : () -> ()
    %eq3A_92 = arith.constant 15 : i32
    %eq3A_93 = arith.cmpi eq, %arg1, %eq3A_92 : i32
    %convert_element_type3A_94 = arith.extui %eq3A_93 : i1 to i32
    %cond3A_95 = arith.constant 0 : i32
    %cond3A_96 = arith.cmpi ne, %convert_element_type3A_94, %cond3A_95 : i32
    scf.if %cond3A_96 {
      "tpu.region"() ({
        %run_scoped3A_97 = tpu.sem_alloc : memref<!tpu.dma_semaphore, #tpu.memory_space<semaphore_mem>>
        %dma_start3A_98 = arith.constant 9984 : i32
        %dma_start3A_99 = arith.constant 0 : i32
        %dma_start3A_100 = tpu.memref_slice %arg6[%arg0, %dma_start3A_98, %dma_start3A_99] : memref<2x10000x128xf32, #tpu.memory_space<hbm>> -> memref<1x16x128xf32, #tpu.memory_space<hbm>>
        %dma_start3A_101 = tpu.memref_squeeze %dma_start3A_100 : memref<1x16x128xf32, #tpu.memory_space<hbm>> -> memref<16x128xf32, #tpu.memory_space<hbm>>
        %dma_start3A_102 = arith.constant 9984 : i32
        %dma_start3A_103 = arith.constant 0 : i32
        %dma_start3A_104 = tpu.memref_slice %arg10[%dma_start3A_102, %dma_start3A_103] : memref<10000x128xf32, #tpu.memory_space<vmem_shared>> -> memref<16x128xf32, #tpu.memory_space<vmem_shared>>
        tpu.enqueue_dma source(%dma_start3A_104 : memref<16x128xf32, #tpu.memory_space<vmem_shared>>) target(%dma_start3A_101 : memref<16x128xf32, #tpu.memory_space<hbm>>) target_semaphore(%run_scoped3A_97 : memref<!tpu.dma_semaphore, #tpu.memory_space<semaphore_mem>>)
        %dma_wait3A_105 = arith.constant 9984 : i32
        %dma_wait3A_106 = arith.constant 0 : i32
        %dma_wait3A_107 = tpu.memref_slice %arg6[%arg0, %dma_wait3A_105, %dma_wait3A_106] : memref<2x10000x128xf32, #tpu.memory_space<hbm>> -> memref<1x16x128xf32, #tpu.memory_space<hbm>>
        %dma_wait3A_108 = tpu.memref_squeeze %dma_wait3A_107 : memref<1x16x128xf32, #tpu.memory_space<hbm>> -> memref<16x128xf32, #tpu.memory_space<hbm>>
        %dma_wait3A_109 = arith.constant 9984 : i32
        %dma_wait3A_110 = arith.constant 0 : i32
        %dma_wait3A_111 = tpu.memref_slice %arg10[%dma_wait3A_109, %dma_wait3A_110] : memref<10000x128xf32, #tpu.memory_space<vmem_shared>> -> memref<16x128xf32, #tpu.memory_space<vmem_shared>>
        tpu.wait_dma2 semaphore(%run_scoped3A_97 : memref<!tpu.dma_semaphore, #tpu.memory_space<semaphore_mem>>) src(%dma_wait3A_111 : memref<16x128xf32, #tpu.memory_space<vmem_shared>>) dst(%dma_wait3A_108 : memref<16x128xf32, #tpu.memory_space<hbm>>)
        tpu.yield
      }) : () -> ()
    } else {
    }
    return
  }
}

module attributes {stable_mosaic.version = 14 : i64} {
  func.func @_mlp_body(%arg0: memref<10000x128xf32, #tpu.memory_space<vmem>>, %arg1: memref<2x10000x128xf32, #tpu.memory_space<vmem>>, %arg2: memref<128x128xf32, #tpu.memory_space<vmem>>, %arg3: memref<1x128xf32, #tpu.memory_space<vmem>>, %arg4: memref<1x128xf32, #tpu.memory_space<vmem>>, %arg5: memref<1x128xf32, #tpu.memory_space<vmem>>, %arg6: memref<128x128xf32, #tpu.memory_space<vmem>>, %arg7: memref<1x128xf32, #tpu.memory_space<vmem>>, %arg8: memref<1x1xf32, #tpu.memory_space<vmem>>, %arg9: memref<10000x128xf32, #tpu.memory_space<vmem>>) attributes {dimension_semantics = [], scalar_prefetch = 0 : i64, scratch_operands = 0 : i64, tpu.core_type = #tpu.core_type<tc>} {
    %get3A = arith.constant 0 : index
    %get3A_0 = arith.constant 0 : index
    %get3A_1 = arith.constant 0 : index
    %get3A_2 = vector.load %arg1[%get3A, %get3A_0, %get3A_1] : memref<2x10000x128xf32, #tpu.memory_space<vmem>>, vector<1x10000x128xf32>
    %get3A_3 = vector.shape_cast %get3A_2 : vector<1x10000x128xf32> to vector<10000x128xf32>
    %get3A_4 = arith.constant 1 : index
    %get3A_5 = arith.constant 0 : index
    %get3A_6 = arith.constant 0 : index
    %get3A_7 = vector.load %arg1[%get3A_4, %get3A_5, %get3A_6] : memref<2x10000x128xf32, #tpu.memory_space<vmem>>, vector<1x10000x128xf32>
    %get3A_8 = vector.shape_cast %get3A_7 : vector<1x10000x128xf32> to vector<10000x128xf32>
    %add3A = arith.addf %get3A_3, %get3A_8 : vector<10000x128xf32>
    %get3A_9 = arith.constant 0 : index
    %get3A_10 = arith.constant 0 : index
    %get3A_11 = vector.load %arg8[%get3A_9, %get3A_10] : memref<1x1xf32, #tpu.memory_space<vmem>>, vector<1x1xf32>
    %get3A_12 = vector.extract %get3A_11[0, 0] : f32 from vector<1x1xf32>
    %add3A_13 = arith.constant 1.000000e+00 : f32
    %add3A_14 = arith.addf %add3A_13, %get3A_12 : f32
    %get3A_15 = arith.constant 0 : index
    %get3A_16 = arith.constant 0 : index
    %get3A_17 = vector.load %arg0[%get3A_15, %get3A_16] : memref<10000x128xf32, #tpu.memory_space<vmem>>, vector<10000x128xf32>
    %mul3A = vector.broadcast %add3A_14 : f32 to vector<10000x128xf32>
    %mul3A_18 = arith.mulf %mul3A, %get3A_17 : vector<10000x128xf32>
    %add3A_19 = arith.addf %mul3A_18, %add3A : vector<10000x128xf32>
    %get3A_20 = arith.constant 0 : index
    %get3A_21 = arith.constant 0 : index
    %get3A_22 = vector.load %arg2[%get3A_20, %get3A_21] : memref<128x128xf32, #tpu.memory_space<vmem>>, vector<128x128xf32>
    %dot_general3A = arith.constant dense<0.000000e+00> : vector<10000x128xf32>
    %dot_general3A_23 = tpu.matmul %add3A_19, %get3A_22, %dot_general3A {dimension_numbers = #tpu.dot_dimension_numbers<[1], [1], [0], [0], [0, 0, 1, 0], [], []>, transpose_lhs_hint = false} : vector<10000x128xf32>, vector<128x128xf32>, vector<10000x128xf32> -> vector<10000x128xf32>
    %get3A_24 = arith.constant 0 : index
    %get3A_25 = arith.constant 0 : index
    %get3A_26 = vector.load %arg3[%get3A_24, %get3A_25] : memref<1x128xf32, #tpu.memory_space<vmem>>, vector<1x128xf32>
    %add3A_27 = vector.broadcast %get3A_26 : vector<1x128xf32> to vector<10000x128xf32>
    %add3A_28 = arith.addf %dot_general3A_23, %add3A_27 : vector<10000x128xf32>
    %reduce_sum3A = arith.constant dense<0.000000e+00> : vector<128xf32>
    %reduce_sum3A_29 = vector.multi_reduction <add>, %add3A_28, %reduce_sum3A [0] : vector<10000x128xf32> to vector<128xf32>
    %broadcast_in_dim3A = vector.shape_cast %reduce_sum3A_29 : vector<128xf32> to vector<1x128xf32>
    %div3A = arith.constant 1.000000e+04 : f32
    %div3A_30 = vector.broadcast %div3A : f32 to vector<1x128xf32>
    %div3A_31 = arith.divf %broadcast_in_dim3A, %div3A_30 : vector<1x128xf32>
    %sub3A = vector.broadcast %div3A_31 : vector<1x128xf32> to vector<10000x128xf32>
    %sub3A_32 = arith.subf %add3A_28, %sub3A : vector<10000x128xf32>
    %integer_pow3A = arith.mulf %sub3A_32, %sub3A_32 : vector<10000x128xf32>
    %reduce_sum3A_33 = arith.constant dense<0.000000e+00> : vector<128xf32>
    %reduce_sum3A_34 = vector.multi_reduction <add>, %integer_pow3A, %reduce_sum3A_33 [0] : vector<10000x128xf32> to vector<128xf32>
    %broadcast_in_dim3A_35 = vector.shape_cast %reduce_sum3A_34 : vector<128xf32> to vector<1x128xf32>
    %div3A_36 = arith.constant 1.000000e+04 : f32
    %div3A_37 = vector.broadcast %div3A_36 : f32 to vector<1x128xf32>
    %div3A_38 = arith.divf %broadcast_in_dim3A_35, %div3A_37 : vector<1x128xf32>
    %sub3A_39 = vector.broadcast %div3A_31 : vector<1x128xf32> to vector<10000x128xf32>
    %sub3A_40 = arith.subf %add3A_28, %sub3A_39 : vector<10000x128xf32>
    %get3A_41 = arith.constant 0 : index
    %get3A_42 = arith.constant 0 : index
    %get3A_43 = vector.load %arg4[%get3A_41, %get3A_42] : memref<1x128xf32, #tpu.memory_space<vmem>>, vector<1x128xf32>
    %add3A_44 = arith.constant 9.99999974E-6 : f32
    %add3A_45 = vector.broadcast %add3A_44 : f32 to vector<1x128xf32>
    %add3A_46 = arith.addf %div3A_38, %add3A_45 : vector<1x128xf32>
    %sqrt3A = math.sqrt %add3A_46 : vector<1x128xf32>
    %div3A_47 = arith.divf %get3A_43, %sqrt3A : vector<1x128xf32>
    %mul3A_48 = vector.broadcast %div3A_47 : vector<1x128xf32> to vector<10000x128xf32>
    %mul3A_49 = arith.mulf %sub3A_40, %mul3A_48 : vector<10000x128xf32>
    %get3A_50 = arith.constant 0 : index
    %get3A_51 = arith.constant 0 : index
    %get3A_52 = vector.load %arg5[%get3A_50, %get3A_51] : memref<1x128xf32, #tpu.memory_space<vmem>>, vector<1x128xf32>
    %add3A_53 = vector.broadcast %get3A_52 : vector<1x128xf32> to vector<10000x128xf32>
    %add3A_54 = arith.addf %mul3A_49, %add3A_53 : vector<10000x128xf32>
    %max3A = arith.constant 0.000000e+00 : f32
    %max3A_55 = vector.broadcast %max3A : f32 to vector<10000x128xf32>
    %max3A_56 = arith.maximumf %add3A_54, %max3A_55 : vector<10000x128xf32>
    %get3A_57 = arith.constant 0 : index
    %get3A_58 = arith.constant 0 : index
    %get3A_59 = vector.load %arg6[%get3A_57, %get3A_58] : memref<128x128xf32, #tpu.memory_space<vmem>>, vector<128x128xf32>
    %dot_general3A_60 = arith.constant dense<0.000000e+00> : vector<10000x128xf32>
    %dot_general3A_61 = tpu.matmul %max3A_56, %get3A_59, %dot_general3A_60 {dimension_numbers = #tpu.dot_dimension_numbers<[1], [1], [0], [0], [0, 0, 1, 0], [], []>, transpose_lhs_hint = false} : vector<10000x128xf32>, vector<128x128xf32>, vector<10000x128xf32> -> vector<10000x128xf32>
    %get3A_62 = arith.constant 0 : index
    %get3A_63 = arith.constant 0 : index
    %get3A_64 = vector.load %arg7[%get3A_62, %get3A_63] : memref<1x128xf32, #tpu.memory_space<vmem>>, vector<1x128xf32>
    %add3A_65 = vector.broadcast %get3A_64 : vector<1x128xf32> to vector<10000x128xf32>
    %add3A_66 = arith.addf %dot_general3A_61, %add3A_65 : vector<10000x128xf32>
    %swap3A = arith.constant 0 : index
    %swap3A_67 = arith.constant 0 : index
    %swap3A_68 = vector.load %arg9[%swap3A, %swap3A_67] : memref<10000x128xf32, #tpu.memory_space<vmem>>, vector<10000x128xf32>
    tpu.vector_store %arg9[%swap3A, %swap3A_67], %add3A_66 {strides = array<i32>} : memref<10000x128xf32, #tpu.memory_space<vmem>>, vector<10000x128xf32>,
    return
  }
}

</mosaic_0001>

<sc_bundles>
// kernel: kernel.4.cloned.1.call-start
scs
__scs_entry_jumppad:
0x0: {  	(pc) =	sbr.rel $0x88, $3  }
0x1: {  	(tag) =	ssettag $0x0;
	lr =	simm.s32 $0x1  }
0x2: {  	[smem:$0x3F98] =	sst lr;
	_ =	strace $0xD0000000  }
0x3: {  	_ = 	snop  }
0x4: {  	_ = 	snop  }
0x5: {  	_ = 	snop  }
0x6: {  	_ = 	snop  }
0x7: {  	_ = 	snop  }
__scs_overlays_trampoline_lowered:
0x8: {  	[smem:$0x3FA7] =	sst s0  }
0x9: {  	[smem:$0x3FA8] =	sst s1  }
0xa: {  	[smem:$0x3FA9] =	sst s2  }
0xb: {  	[smem:$0x3FAA] =	sst s3  }
0xc: {  	[smem:$0x3FAB] =	sst s4  }
0xd: {  	[smem:$0x3FAC] =	sst s5  }
0xe: {  	[smem:$0x3FAD] =	sst s6  }
0xf: {  	[smem:$0x3FAE] =	sst s7  }
0x10: {  	[smem:$0x3FAF] =	sst s8  }
0x11: {  	[smem:$0x3FB0] =	sst s9;
	s0 =	simm.s32 @!p0 $0x0  }
0x12: {  	s1 =	sld [smem:$0x3F96];
	s0 =	simm.s32 @p0 $0x1  }
0x13: {  	[smem:$0x3FB1] =	sst s0;
	s0 =	simm.s32 @!p1 $0x0  }
0x14: {  	s2 =	sld [smem:$0x3F95];
	s0 =	simm.s32 @p1 $0x1  }
0x15: {  	[smem:$0x3FB2] =	sst s0;
	s0 =	simm.s32 @!p2 $0x0  }
0x16: {  	s3 =	sld [smem:$0x3FDB];
	s0 =	simm.s32 @p2 $0x1  }
0x17: {  	s4 =	simm.s32 $0x1BF5;
	[smem:$0x3FB4] =	sst s0  }
0x18: {  	s0 =	sld [smem:$0x3F97];
	_ =	swait.ge [sflag:s4], $0x0  }
0x19: {  	s7 =	sld [smem:$0x3F98]  }
0x1a: {  	s8 =	sadd.s32 $0xFFFFE003, lr  }
0x1b: {  	s9 =	sadd.s32 $0xFFFFFEF7, lr;
	s5 =	simm.s32 $0xFFFFFFFF;
	p2 =	slt.u32 s8, $0xFFFFF086  }
0x1c: {  	p1 =	slt.u32 s9, $0xF7A;
	s5 =	simm.s32 @!p2 $0x0  }
0x1d: {  	s5 =	simm.s32 @p1 $0x1;
	p0 =	seq.s32 s7, s2  }
0x1e: {  	s7 =	smul.u32 @!p0 $0xF7A, s2;
	p2 =	seq.s32 @!p0 s5, $0x0  }
0x1f: {  	s9 =	smul.u32 $0xF7A, s1;
	s8 =	simm.s32 @!p0 $0x1BF5;
	p2 =	por !p2, p0  }
0x20: {  	[sflag:s8] =	ssyncset.s32 @!p0 $0xFFFFF086;
	s6 =	sadd.s32 @!p0 s3, s7;
	s7 =	simm.s32 @!p0 $0x108  }
0x21: {  	s3 =	sadd.s32 s3, s9;
	s6 =	sadd.s32 @!p0 $0x88, s6;
	s7 =	simm.s32 @p2 $0x1082  }
0x22: {  	[simem:s7], [sflag:s8] =	dma.local @!p0 [hbm:s6], $0xF7A  }
0x23: {  	s9 =	sor.u32 $0xD0000000, s2;
	s6 =	simm.s32 $0x108;
	_ =	swait.ge @!p0 [sflag:s8], $0x0  }
0x24: {  	s3 =	sadd.s32 $0x88, s3;
	s6 =	simm.s32 @!p1 $0x1082;
	[sflag:s4] =	ssyncset.s32 $0xFFFFF086  }
0x25: {  	[simem:s6], [sflag:s4] =	dma.local [hbm:s3], $0xF7A  }
0x26: {  	[smem:$0x3F98] =	sst s1;
	(tag) =	ssettag s2;
	_ =	strace s9  }
0x27: {  	s1 =	sld [smem:$0x3FA8]  }
0x28: {  	s2 =	sld [smem:$0x3FA9]  }
0x29: {  	s4 =	sld [smem:$0x3FAB]  }
0x2a: {  	p0 =	seq.s32 s5, $0x0;
	s5 =	sld [smem:$0x3FAC]  }
0x2b: {  	s6 =	sld [smem:$0x3FAD]  }
0x2c: {  	s7 =	sld [smem:$0x3FAE]  }
0x2d: {  	s3 =	simm.s32 $0x108;
	s8 =	sld [smem:$0x3FAF]  }
0x2e: {  	s3 =	simm.s32 @!p0 $0x1082;
	s9 =	sld [smem:$0x3FB0]  }
0x2f: {  	lr =	sadd.s32 s0, s3;
	s0 =	sld [smem:$0x3FA7]  }
0x30: {  	s3 =	sld [smem:$0x3FAA]  }
0x31: {  	[smem:$0x3FB3] =	sst s10  }
0x32: {  	s10 =	sld [smem:$0x3FB1];
	_ =	sdelay $0x3  }
0x33: {  	p0 =	seq.s32 s10, $0x1;
	s10 =	sld [smem:$0x3FB3];
	_ =	sdelay $0x3  }
0x34: {  	[smem:$0x3FB3] =	sst s10  }
0x35: {  	s10 =	sld [smem:$0x3FB2];
	_ =	sdelay $0x3  }
0x36: {  	p1 =	seq.s32 s10, $0x1;
	s10 =	sld [smem:$0x3FB3];
	_ =	sdelay $0x3  }
0x37: {  	[smem:$0x3FB3] =	sst s10  }
0x38: {  	s10 =	sld [smem:$0x3FB4]  }
0x39: {  	_ = 	snop;
	(pc) =	sbr.ind lr, $3  }
0x3a: {  	_ = 	snop  }
0x3b: {  	_ = 	snop  }
0x3c: {  	p2 =	seq.s32 s10, $0x1;
	s10 =	sld [smem:$0x3FB3]  }
0x3d: {  	_ =	shalt  }
0x3e: {  	_ =	shalt  }
0x3f: {  	_ =	shalt  }
0x40: {  	_ =	shalt  }
0x41: {  	_ =	shalt  }
0x42: {  	_ =	shalt  }
0x43: {  	_ =	shalt  }
0x44: {  	_ =	shalt  }
0x45: {  	_ =	shalt  }
0x46: {  	_ =	shalt  }
0x47: {  	_ =	shalt  }
0x48: {  	_ =	shalt  }
0x49: {  	_ =	shalt  }
0x4a: {  	_ =	shalt  }
0x4b: {  	_ =	shalt  }
0x4c: {  	_ =	shalt  }
0x4d: {  	_ =	shalt  }
0x4e: {  	_ =	shalt  }
0x4f: {  	_ =	shalt  }
0x50: {  	_ =	shalt  }
0x51: {  	_ =	shalt  }
0x52: {  	_ =	shalt  }
0x53: {  	_ =	shalt  }
0x54: {  	_ =	shalt  }
0x55: {  	_ =	shalt  }
0x56: {  	_ =	shalt  }
0x57: {  	_ =	shalt  }
0x58: {  	_ =	shalt  }
0x59: {  	_ =	shalt  }
0x5a: {  	_ =	shalt  }
0x5b: {  	_ =	shalt  }
0x5c: {  	_ =	shalt  }
0x5d: {  	_ =	shalt  }
0x5e: {  	_ =	shalt  }
0x5f: {  	_ =	shalt  }
0x60: {  	_ =	shalt  }
0x61: {  	_ =	shalt  }
0x62: {  	_ =	shalt  }
0x63: {  	_ =	shalt  }
0x64: {  	_ =	shalt  }
0x65: {  	_ =	shalt  }
0x66: {  	_ =	shalt  }
0x67: {  	_ =	shalt  }
0x68: {  	_ =	shalt  }
0x69: {  	_ =	shalt  }
0x6a: {  	_ =	shalt  }
0x6b: {  	_ =	shalt  }
0x6c: {  	_ =	shalt  }
0x6d: {  	_ =	shalt  }
0x6e: {  	_ =	shalt  }
0x6f: {  	_ =	shalt  }
0x70: {  	_ =	shalt  }
0x71: {  	_ =	shalt  }
0x72: {  	_ =	shalt  }
0x73: {  	_ =	shalt  }
0x74: {  	_ =	shalt  }
0x75: {  	_ =	shalt  }
0x76: {  	_ =	shalt  }
0x77: {  	_ =	shalt  }
0x78: {  	_ =	shalt  }
0x79: {  	_ =	shalt  }
0x7a: {  	_ =	shalt  }
0x7b: {  	_ =	shalt  }
0x7c: {  	_ =	shalt  }
0x7d: {  	_ =	shalt  }
0x7e: {  	_ =	shalt  }
0x7f: {  	_ =	shalt  }
0x80: {  	_ =	shalt  }
0x81: {  	_ =	shalt  }
0x82: {  	_ =	shalt  }
0x83: {  	_ =	shalt  }
0x84: {  	_ =	shalt  }
0x85: {  	_ =	shalt  }
0x86: {  	_ =	shalt  }
0x87: {  	_ =	shalt  }
.Lfunc_end0:
.L_simem_size_0:
called_computation_lowered:
.L_overlay_start_0:
0x88: {  	s2 =	sld [smem:$0x3FD9]  }
0x89: {  	s3 =	sld [smem:$0x3FFE];
	_ =	sdelay $0x1  }
0x8a: {  	s1 =	srdreg.scid  }
0x8b: {  	s0 =	sand.u32 $0x1, s1  }
0x8c: {  	s17 =	sshll.u32 s0, $0xA;
	s2 =	sadd.s32 s3, s2  }
0x8d: {  	s2 =	sadd.s32 s2, s17  }
0x8e: {  	[smem:$0x3FBF] =	sst s2  }
0x8f: {  	_ = 	snop  }
0x90: {  	s2 =	sld [smem:$0x3FC9]  }
0x91: {  	s18 =	sld [smem:$0x3FD0];
	(tm) =	ssettm $0x1  }
0x92: {  	s4 =	sld [smem:$0x3FFB];
	_ =	sdelay $0x3  }
0x93: {  	_ =	strace s4  }
0x94: {  	s4 =	sld [smem:$0x3FFC];
	_ =	sdelay $0x3  }
0x95: {  	_ =	strace s4  }
0x96: {  	s4 =	sld [smem:$0x3FFD];
	_ =	sdelay $0x3  }
0x97: {  	_ =	strace s4  }
0x98: {  	_ =	strace $0x8FFFFFFF  }
0x99: {  	s19 =	sld [smem:$0x3FDB];
	_ =	sdelay $0x1  }
0x9a: {  	s5 =	simm.s32 $_scs_section_size  }
0x9b: {  	s6 =	simm.s32 $_size__tile_overlayer_lowered;
	s7 =	simm.s32 $_tile_overlayer_lowered  }
0x9c: {  	s22 =	simm.s32 $0x1BFF;
	s21 =	sshll.u32 s7, $0x1;
	s4 =	sadd.s32 s5, s19  }
0x9d: {  	s8 =	simm.s32 $0x0;
	s20 =	sshll.u32 s6, $0x1;
	s6 =	sadd.s32 s21, s4  }
0x9e: {  	[timem:s8], [sflag:s22] =	dma.local [hbm:s6], s20  }
0x9f: {  	_ =	swait.ge [sflag:s22], s20  }
0xa0: {  	s5 =	ssub.s32 $0x0, s20;
	[sflag:s22] =	ssyncset.done $0x0  }
0xa1: {  	[sflag:s22] =	ssyncadd.s32 s5;
	_ =	sdelay $0x1  }
0xa2: {  	s23 =	simm.s32 $0x1B8B  }
0xa3: {  	_ =	swait.ge [sflag:s23], $0x1  }
0xa4: {  	[sflag:s23] =	ssyncset.done $0x0  }
0xa5: {  	s25 =	simm.s32 $0x1B8E;
	s24 =	sld [smem:$0x3FFE];
	[sflag:s23] =	ssyncadd.s32 $0xFFFFFFFF  }
0xa6: {  	s26 =	simm.s32 $execute0_lowered;
	[smem:$0x3FD2] =	sst s25  }
0xa7: {  	s6 =	sshll.u32 s26, $0x1;
	_ =	strace $0x80000046;
	[dreg:$0x1] =	wrdreg $0xFFFFFFFF  }
0xa8: {  	s28 =	simm.s32 $_size_execute0_lowered;
	s4 =	sadd.s32 s4, s6;
	[dreg:$0x0] =	wrdreg $0x0  }
0xa9: {  	s6 =	sshll.u32 s28, $0x1;
	[dreg:$0x2] =	wrdreg s4  }
0xaa: {  	[dreg:$0x3] =	wrdreg s6  }
0xab: {  	[dreg:$0x4] =	wrdreg $0xC0  }
0xac: {  	_ =	task [dreg:s8], $0x5FFFF  }
0xad: {  	[dreg:$0x1] =	wrdreg $0xFFFFFFFF  }
0xae: {  	[dreg:$0x0] =	wrdreg $0x60  }
0xaf: {  	[dreg:$0x2] =	wrdreg s2  }
0xb0: {  	[dreg:$0x3] =	wrdreg s24  }
0xb1: {  	[dreg:$0x4] =	wrdreg s18  }
0xb2: {  	[dreg:$0x5] =	wrdreg $0xB7800  }
0xb3: {  	[dreg:$0x6] =	wrdreg $0x9  }
0xb4: {  	_ =	task.clear_ibuf [dreg:s8], $0x7FFFF;
	_ =	strace $0x90000046  }
0xb5: {  	s29 =	simm.s32 $0x9;
	_ =	strace $0x80000048  }
0xb6: {  	_ =	swait.ge [sflag:s29], $0x1  }
0xb7: {  	[sflag:s29] =	ssyncadd.s32 $0xFFFFFFFF  }
0xb8: {  	_ =	strace $0x90000048  }
0xb9: {  	_ =	sfence  }
0xba: {  	s30 =	sld [smem:$0x0];
	_ =	sdelay $0x2  }
0xbb: {  	s31 =	sshll.u32 s1, $0xD;
	s1 =	sshrl.u32 s1, $0x2  }
0xbc: {  	s3 =	sand.u32 $0x4000, s31;
	s1 =	sadd.s32 s1, s30  }
0xbd: {  	s0 =	sor.u32 s3, s0;
	s1 =	sshll.u32 s1, $0x11  }
0xbe: {  	s0 =	sor.u32 s1, s0  }
0xbf: {  	s0 =	sadd.s32 $0x8F2B, s0  }
0xc0: {  	[sflag:s0] =	ssyncadd.remote.s32 $0x1  }
0xc1: {  	_ =	sfence.sel $0xFFFF  }
0xc2: {  	[dreg:$0x0] =	wrdreg $0xFFFFFFFF;
	(pc) =	sbr.abs _section_cstart, $3  }
0xc3: {  	[dreg:$0x1] =	wrdreg $0xFFFFFFFF  }
0xc4: {  	_ =	task.clear_ibuf [dreg:s8], $0x2FFFF;
	_ =	strace $0x9FFFFFFF  }
0xc5: {  	(tm) =	ssettm $0x7FFFFFFF  }
tec
execute0_lowered:
.L_overlay_start_1:
0x0: {  	(tag) =	ssettag $0x1  }
0x1: {  	s1 =	rddreg [dreg:$0x0]  }
0x2: {  	s2 =	srdreg.scid;
	s7 =	rddreg [dreg:$0x1]  }
0x3: {  	s0 =	stileid.u32;
	s9 =	rddreg [dreg:$0x2]  }
0x4: {  	s3 =	rddreg [dreg:$0x3];
	s4 =	simm.s32 $0x0;
	s17 =	simm.s32 $0x2780  }
0x5: {  	s18 =	simm.s32 $0x50;
	s19 =	simm.s32 $0x6780;
	s20 =	simm.s32 $0x8F80  }
0x6: {  	s28 =	simm.s32 $0x0;
	s6 =	sand.u32 $0x1, s2;
	s21 =	sshll.u32 s0, $0x1  }
0x7: {  	s22 =	sshrl.u32 s0, $0x2;
	[smem:$0x7FF] =	sst s4;
	s13 =	smul.u32 $0x4E000, s0  }
0x8: {  	s14 =	sadd.s32 $0xD800, s7;
	s29 =	sshll.u32 s0, $0x6;
	s30 =	smul.u32 $0x13800, s0  }
0x9: {  	s16 =	sadd.s32 $0x138000, s3;
	p0 =	sne.s32 s0, $0xF;
	s8 =	sor.u32 s6, s21  }
0xa: {  	s5 =	smul.u32 $0x13C00, s22;
	_ =	strace $0x80000047;
	s11 =	ssub.s32 $0x2, s6  }
0xb: {  	s25 =	smul.u32 $0x138800, s6;
	s6 =	sor.u32 $0x1C03, s29;
	s21 =	simm.s32 $0x1  }
0xc: {  	s22 =	simm.s32 $0x2;
	s23 =	sshll.u32 s8, $0x7;
	s12 =	sshrl.u32 s11, $0x1  }
0xd: {  	s26 =	sshrl.u32 s13, $0x2;
	s8 =	sshll.u32 s8, $0xB;
	s13 =	simm.s32 $0x3  }
0xe: {  	s10 =	sand.u32 $0x380, s23;
	s11 =	ssub.s32 s11, s12;
	s15 =	sadd.s32 s26, s3  }
0xf: {  	s31 =	sadd.s32 s30, s25;
	s12 =	sshrl.u32 s25, $0x3;
	s8 =	sadd.s32 s9, s8  }
0x10: {  	s23 =	simm.s32 $0x6480;
	s25 =	simm.s32 $0x6500;
	s26 =	simm.s32 $0x6580  }
0x11: {  	s5 =	sor.u32 s5, s10;
	s10 =	sshrl.u32 s31, $0x3;
	s12 =	sadd.s32 s14, s12  }
0x12: {  	s11 =	smax.u32 s11, $0x1;
	s5 =	sshrl.u32 s5, $0x3;
	s9 =	sadd.s32 s14, s10  }
0x13: {  	s10 =	sadd.s32 $0x27000, s12;
	s12 =	sshrl.u32 s15, $0x3;
	s14 =	sshrl.u32 @!p0 s16, $0x3  }
0x14: {  	s15 =	simm.s32 $0x80;
	s16 =	simm.s32 $0x400;
	s24 =	sadd.s32 s5, s7  }
0x15: {  	s5 =	sadd.s32 $0xB000, s7;
	s7 =	sadd.s32 $0x1200, s24;
	s24 =	simm.s32 $0x26C0  }
.LBB2_1:
0x16: {  	[spmem:s12], [sflag:s6] =	dma.local [hbm:s5], $0x2700  }
0x17: {  	_ =	swait.ge [sflag:s13], $0x2700  }
0x18: {  	[sflag:s13] =	ssyncset.done $0x0  }
0x19: {  	s29 =	simm.s32 @!p0 $0x3;
	[sflag:s13] =	ssyncadd.s32 $0xFFFFD900  }
0x1a: {  	[spmem:s14], [sflag:s6] =	dma.local @!p0 [hbm:s5], $0x100  }
0x1b: {  	_ =	swait.ge @!p0 [sflag:s29], $0x100  }
0x1c: {  	[sflag:s29] =	ssyncset.done @!p0 $0x0  }
0x1d: {  	[sflag:s29] =	ssyncadd.s32 @!p0 $0xFFFFFF00  }
0x1e: {  	[tilespmem:s4], [sflag:$0x3] =	stream.strided.gather [hbm4b:s7+s15], $0x2780, s16, s15, $0x38;
	[tilespmem:$0x1F000] =	vst v63  }
0x1f: {  	_ =	swait.ge [sflag:s13], $0x2780  }
0x20: {  	[sflag:s13] =	ssyncset.done $0x0  }
0x21: {  	[sflag:s13] =	ssyncadd.s32 $0xFFFFD880  }
0x22: {  	[tilespmem:s17], [sflag:$0x3] =	stream.linear.gather [hbm4b:s8+s4], $0x3E80, $0x38;
	[tilespmem:$0x1F000] =	vst v63  }
0x23: {  	_ =	swait.ge [sflag:s13], $0x3E80  }
0x24: {  	[sflag:s13] =	ssyncset.done $0x0  }
0x25: {  	[sflag:s13] =	ssyncadd.s32 $0xFFFFC180  }
0x26: {  	[bflag:$0x0] =	sbarrier.arrive $0xFFFF  }
0x27: {  	[tilespmem:s19], [sflag:$0x1] =	stream.indirect.gather [hbm4b:s1+s18], $0x80, s4, s18, $0xb8;
	[tilespmem:$0x1F000] =	vst v63  }
0x28: {  	_ = 	snop  }
0x29: {  	[tilespmem:s20], [sflag:$0x2] =	stream.indirect.gather [hbm4b:s1+s18], $0x80, s18, s18, $0xb8;
	[tilespmem:$0x1F000] =	vst v63  }
0x2a: {  	_ =	swait.ge [sflag:s21], $0x2800  }
0x2b: {  	[sflag:s21] =	ssyncset.done $0x0  }
0x2c: {  	s29 =	simm.s32 $0x2780;
	[sflag:s21] =	ssyncadd.s32 $0xFFFFD800  }
0x2d: {  	[spmem:s3] =	stream.indirect.scatter.add.f32 [tilespmem:s19], [sflag:$0x3], $0x80, s29, s18, $0xb8;
	[tilespmem:$0x1F000] =	vst v63  }
0x2e: {  	_ =	swait.ge [sflag:s13], $0x2800  }
0x2f: {  	[sflag:s13] =	ssyncset.done $0x0  }
0x30: {  	s29 =	simm.s32 $0xA0;
	[sflag:s13] =	ssyncadd.s32 $0xFFFFD800  }
0x31: {  	[tilespmem:s19], [sflag:$0x1] =	stream.indirect.gather [hbm4b:s1+s18], $0x80, s29, s18, $0xb8;
	[tilespmem:$0x1F000] =	vst v63  }
0x32: {  	_ =	swait.ge [sflag:s22], $0x2800  }
0x33: {  	[sflag:s22] =	ssyncset.done $0x0  }
0x34: {  	s29 =	simm.s32 $0x2800;
	[sflag:s22] =	ssyncadd.s32 $0xFFFFD800  }
0x35: {  	[spmem:s3] =	stream.indirect.scatter.add.f32 [tilespmem:s20], [sflag:$0x3], $0x80, s29, s18, $0xb8;
	[tilespmem:$0x1F000] =	vst v63  }
0x36: {  	_ =	swait.ge [sflag:s13], $0x2800  }
0x37: {  	s30 =	simm.s32 $0x400;
	[sflag:s13] =	ssyncset.done $0x0  }
0x38: {  	s31 =	simm.s32 $0x190;
	s29 =	simm.s32 $0xF0;
	[sflag:s13] =	ssyncadd.s32 $0xFFFFD800  }
.LBB2_2:
0x39: {  	[tilespmem:s20], [sflag:$0x2] =	stream.indirect.gather [hbm4b:s1+s18], $0x80, s29, s18, $0xb8;
	[tilespmem:$0x1F000] =	vst v63  }
0x3a: {  	s2 =	smov.u32 s30;
	s29 =	smov.u32 s31  }
0x3b: {  	p1 =	sne.s32 s30, $0xF000;
	s30 =	sadd.s32 $0x400, s30;
	_ =	swait.ge [sflag:s21], $0x2800  }
0x3c: {  	s2 =	sshra.s32 s2, $0x2;
	[sflag:s21] =	ssyncset.done $0x0  }
0x3d: {  	s0 =	sadd.s32 $0x2780, s2;
	[sflag:s21] =	ssyncadd.s32 $0xFFFFD800  }
0x3e: {  	[spmem:s3] =	stream.indirect.scatter.add.f32 [tilespmem:s19], [sflag:$0x3], $0x80, s0, s18, $0xb8;
	[tilespmem:$0x1F000] =	vst v63  }
0x3f: {  	_ =	swait.ge [sflag:s13], $0x2800  }
0x40: {  	[sflag:s13] =	ssyncset.done $0x0  }
0x41: {  	s0 =	sadd.s32 $0xFFFFFFB0, s31;
	[sflag:s13] =	ssyncadd.s32 $0xFFFFD800  }
0x42: {  	[tilespmem:s19], [sflag:$0x1] =	stream.indirect.gather [hbm4b:s1+s18], $0x80, s0, s18, $0xb8;
	[tilespmem:$0x1F000] =	vst v63  }
0x43: {  	_ =	swait.ge [sflag:s22], $0x2800  }
0x44: {  	[sflag:s22] =	ssyncset.done $0x0  }
.Ltmp0:
0x45: {  	s0 =	sadd.s32 $0x2800, s2;
	[sflag:s22] =	ssyncadd.s32 $0xFFFFD800;
	(pc) =	sbr.rel @p1 .LBB2_2-.Ltmp0, $4  }
0x46: {  	[spmem:s3] =	stream.indirect.scatter.add.f32 [tilespmem:s20], [sflag:$0x3], $0x80, s0, s18, $0xb8;
	[tilespmem:$0x1F000] =	vst v63  }
0x47: {  	_ =	swait.ge [sflag:s13], $0x2800  }
0x48: {  	[sflag:s13] =	ssyncset.done $0x0  }
0x49: {  	s31 =	sadd.s32 $0xA0, s31;
	[sflag:s13] =	ssyncadd.s32 $0xFFFFD800  }
0x4a: {  	[tilespmem:s20], [sflag:$0x2] =	stream.indirect.gather [hbm4b:s1+s18], $0x80, s29, s18, $0xb8;
	[tilespmem:$0x1F000] =	vst v63  }
0x4b: {  	_ =	swait.ge [sflag:s21], $0x2800  }
0x4c: {  	[sflag:s21] =	ssyncset.done $0x0  }
0x4d: {  	[sflag:s21] =	ssyncadd.s32 $0xFFFFD800  }
0x4e: {  	[spmem:s3] =	stream.indirect.scatter.add.f32 [tilespmem:s19], [sflag:$0x3], $0x80, s23, s18, $0xb8;
	[tilespmem:$0x1F000] =	vst v63  }
0x4f: {  	_ =	swait.ge [sflag:s13], $0x2800  }
0x50: {  	[sflag:s13] =	ssyncset.done $0x0  }
0x51: {  	[sflag:s13] =	ssyncadd.s32 $0xFFFFD800  }
0x52: {  	[tilespmem:s19], [sflag:$0x1] =	stream.indirect.gather [hbm4b:s1+s18], $0x80, s24, s18, $0xb8;
	[tilespmem:$0x1F000] =	vst v63  }
0x53: {  	_ =	swait.ge [sflag:s22], $0x2800  }
0x54: {  	[sflag:s22] =	ssyncset.done $0x0  }
0x55: {  	[sflag:s22] =	ssyncadd.s32 $0xFFFFD800  }
0x56: {  	[spmem:s3] =	stream.indirect.scatter.add.f32 [tilespmem:s20], [sflag:$0x3], $0x80, s25, s18, $0xb8;
	[tilespmem:$0x1F000] =	vst v63  }
0x57: {  	_ =	swait.ge [sflag:s13], $0x2800  }
0x58: {  	[sflag:s13] =	ssyncset.done $0x0  }
0x59: {  	[sflag:s13] =	ssyncadd.s32 $0xFFFFD800  }
0x5a: {  	_ =	swait.ge [sflag:s21], $0x2800  }
0x5b: {  	[sflag:s21] =	ssyncset.done $0x0  }
0x5c: {  	[sflag:s21] =	ssyncadd.s32 $0xFFFFD800  }
0x5d: {  	[spmem:s3] =	stream.indirect.scatter.add.f32 [tilespmem:s19], [sflag:$0x3], $0x80, s26, s18, $0xb8;
	[tilespmem:$0x1F000] =	vst v63  }
0x5e: {  	_ =	swait.ge [sflag:s13], $0x2800  }
0x5f: {  	[sflag:s13] =	ssyncset.done $0x0  }
0x60: {  	[sflag:s13] =	ssyncadd.s32 $0xFFFFD800  }
0x61: {  	[bflag:$0x0] =	sbarrier.arrive $0xFFFF  }
0x62: {  	[hbm:s9], [sflag:s6] =	dma.local [spmem:s12], $0x2700  }
0x63: {  	s28 =	sadd.s32 $0x1, s28;
	_ =	swait.ge [sflag:s13], $0x2700  }
0x64: {  	p1 =	sne.s32 s28, s11;
	[sflag:s13] =	ssyncset.done $0x0  }
.Ltmp1:
0x65: {  	s0 =	simm.s32 @!p0 $0x3;
	[sflag:s13] =	ssyncadd.s32 $0xFFFFD900;
	(pc) =	sbr.rel @p1 .LBB2_1-.Ltmp1, $4  }
0x66: {  	[hbm:s10], [sflag:s6] =	dma.local @!p0 [spmem:s14], $0x100  }
0x67: {  	_ =	swait.ge @!p0 [sflag:s0], $0x100  }
0x68: {  	[sflag:s0] =	ssyncset.done @!p0 $0x0  }
0x69: {  	[sflag:s0] =	ssyncadd.s32 @!p0 $0xFFFFFF00  }
0x6a: {  	_ =	sfence.sel $0x180000  }
0x6b: {  	[bflag:$0x0] =	sbarrier.arrive $0xFFFF  }
0x6c: {  	_ =	strace $0x90000047  }
0x6d: {  	s0 =	stileid.u32;
	[bflag:$0x2] =	sbarrier.arrive $0xFFFF  }
0x6e: {  	p0 =	sne.s32 s0, $0x0;
	s0 =	rddreg [dreg:$0x4]  }
0x6f: {  	s0 =	sadd.s32 @!p0 $0x100000, s0  }
0x70: {  	[sflag:s0] =	ssyncadd.tile.s32 @!p0 $0x1;
	_ =	shalt  }
.Lfunc_end2:
_tile_overlayer_lowered:
.L_overlay_start_2:
0x71: {  	(tag) =	ssettag $0x2  }
0x72: {  	s0 =	rddreg [dreg:$0x0];
	s2 =	stileid.u32  }
0x73: {  	s1 =	rddreg [dreg:$0x1];
	p0 =	sne.s32 s2, $0x0  }
0x74: {  	s3 =	rddreg [dreg:$0x2];
	[bflag:$0x3] =	sbarrier.arrive $0xFFFF;
	s2 =	simm.s32 @!p0 $0x1C03  }
0x75: {  	[timem:s3], [sflag:s2] =	dma.local @!p0 [hbm:s0], s1  }
0x76: {  	s0 =	simm.s32 @!p0 $0x3  }
0x77: {  	_ =	swait.ge @!p0 [sflag:s0], s1  }
0x78: {  	s1 =	ssub.s32 @!p0 $0x0, s1;
	[sflag:s0] =	ssyncset.done @!p0 $0x0  }
0x79: {  	[sflag:s0] =	ssyncadd.s32 @!p0 s1  }
0x7a: {  	[bflag:$0x3] =	sbarrier.arrive $0xFFFF  }
0x7b: {  	_ =	shalt  }

</sc_bundles>
